<compile_context>
chip_gen: v7x
topology: tpu7x:2x2x1
jax: 0.10.2.dev20260603
libtpu: 0.0.44.dev20260713+nightly
codegen_flags: <defaults>
</compile_context>

<pallas_src>
import functools

import jax
import jax.numpy as jnp
import numpy as np
from jax import lax
from jax.experimental import pallas as pl
from jax.experimental.pallas import tpu as pltpu
from jax.experimental.pallas import tpu_sc as plsc

_NC = 2
_NS = 16
_LANES = 16
_NBUF = 3


def _segment_sum_sc(e, idx, n_nodes):
    n_edges, d = e.shape
    nw = _NC * _NS
    per_w = n_edges // nw
    chunk = 80
    n_chunks = per_w // chunk
    n_pad = ((n_nodes // _NS + 7) // 8 * 8) * _NS
    rows_per_tile = n_pad // _NS

    idx3 = idx.reshape(nw, n_chunks, chunk)
    zeros_hbm = jnp.zeros((rows_per_tile, d), jnp.float32)
    mesh = plsc.VectorSubcoreMesh(core_axis_name="c", subcore_axis_name="s")

    @functools.partial(
        pl.kernel,
        mesh=mesh,
        out_type=jax.ShapeDtypeStruct((_NC * n_pad, d), jnp.float32),
        scratch_types=[
            pltpu.VMEM((n_chunks, chunk), jnp.int32),
            pltpu.VMEM_SHARED((n_pad, d), jnp.float32),
            pltpu.SemaphoreType.DMA((_NBUF,)),
            pltpu.SemaphoreType.DMA,
        ],
    )
    def seg(e_hbm, idx_hbm, z_hbm, out_hbm, idx_v, acc, lsem, isem):
        def scoped(ebuf):
            _seg_body(e_hbm, idx_hbm, z_hbm, out_hbm, idx_v, ebuf, acc,
                      lsem, isem)
        pl.run_scoped(scoped, pltpu.VMEM((_NBUF, chunk, d), jnp.float32))

    def _seg_body(e_hbm, idx_hbm, z_hbm, out_hbm, idx_v, ebuf, acc, lsem, isem):
        c = lax.axis_index("c")
        s = lax.axis_index("s")
        wid = s * _NC + c
        base = wid * per_w

        def load_start(j, b):
            pltpu.async_copy(e_hbm.at[pl.ds(base + j * chunk, chunk)],
                             ebuf.at[b], lsem.at[b])

        def load_wait(b):
            pltpu.make_async_copy(e_hbm.at[pl.ds(base, chunk)],
                                  ebuf.at[b], lsem.at[b]).wait()

        for b in range(_NBUF):
            load_start(b, b)
        idx_cp = pltpu.async_copy(idx_hbm.at[wid], idx_v, isem)
        pltpu.sync_copy(z_hbm,
                        acc.at[pl.ds(s * rows_per_tile, rows_per_tile)])
        idx_cp.wait()
        plsc.subcore_barrier()

        @pl.loop(0, n_chunks - _NBUF, step=_NBUF)
        def _go(j0):
            for b in range(_NBUF):
                j = j0 + b
                load_wait(b)
                pltpu.sync_copy(ebuf.at[b], acc.at[idx_v.at[j]], add=True)
                load_start(j + _NBUF, b)

        for b in range(_NBUF):
            j = n_chunks - _NBUF + b
            load_wait(b)
            pltpu.sync_copy(ebuf.at[b], acc.at[idx_v.at[j]], add=True)

        plsc.subcore_barrier()

        r0 = s * rows_per_tile
        pltpu.sync_copy(acc.at[pl.ds(r0, rows_per_tile)],
                        out_hbm.at[pl.ds(c * n_pad + r0, rows_per_tile)])

    return seg(e, idx3, zeros_hbm).reshape(_NC, n_pad, d)


def _mlp_tc(partials, v, W1, b1, W2, b2):
    n, d = v.shape
    blk = 5000
    shift = float(np.log(2.0))

    def body(p_ref, v_ref, w1_ref, b1_ref, w2_ref, b2_ref, out_ref):
        ssum = p_ref[0] + p_ref[1]
        h = lax.dot_general(ssum, w1_ref[...], (((1,), (1,)), ((), ())),
                            preferred_element_type=jnp.float32)
        h = jax.nn.softplus(h + b1_ref[...]) - shift
        o = lax.dot_general(h, w2_ref[...], (((1,), (1,)), ((), ())),
                            preferred_element_type=jnp.float32)
        out_ref[...] = v_ref[...] + o + b2_ref[...]

    return pl.pallas_call(
        body,
        grid=(n // blk,),
        in_specs=[
            pl.BlockSpec((2, blk, d), lambda i: (0, i, 0)),
            pl.BlockSpec((blk, d), lambda i: (i, 0)),
            pl.BlockSpec((d, d), lambda i: (0, 0)),
            pl.BlockSpec((1, d), lambda i: (0, 0)),
            pl.BlockSpec((d, d), lambda i: (0, 0)),
            pl.BlockSpec((1, d), lambda i: (0, 0)),
        ],
        out_specs=pl.BlockSpec((blk, d), lambda i: (i, 0)),
        out_shape=jax.ShapeDtypeStruct((n, d), jnp.float32),
    )(partials, v, W1, b1.reshape(1, d), W2, b2.reshape(1, d))


def kernel(v, e, edge_index, W1, b1, W2, b2):
    n, d = v.shape
    idx = edge_index[1].astype(jnp.int32)
    partials = _segment_sum_sc(e, idx, n)
    return _mlp_tc(partials, v, W1, b1, W2, b2)

# --- scband reference (transcript-rebuilt; emitter-appended) ---
"""Pipeline reference for scband-update-v-1821066133917 (READ-ONLY COPY).

The authoritative reference and input builder live on the scoring server;
editing this copy changes nothing except your own understanding.
"""

import jax, jax.numpy as jnp
import numpy as np

HIDDEN = 128
NUM_FILTERS = 128
N_NODES = 10000
N_EDGES = 320000

def _xavier(key, shape):
    fan_in, fan_out = shape[1], shape[0]
    limit = np.sqrt(6.0 / (fan_in + fan_out))
    return jax.random.uniform(key, shape, dtype=jnp.float32, minval=-limit, maxval=limit)

def setup_inputs(seed: int = 0) -> dict:
    key = jax.random.key(seed)
    k1, k2, k3, k4, k5 = jax.random.split(key, 5)
    v = jax.random.normal(k1, (N_NODES, HIDDEN), dtype=jnp.float32)
    e = jax.random.normal(k2, (N_EDGES, NUM_FILTERS), dtype=jnp.float32)
    edge_index = jax.random.randint(k3, (2, N_EDGES), 0, N_NODES, dtype=jnp.int64)
    W1 = _xavier(k4, (HIDDEN, NUM_FILTERS))
    b1 = jnp.zeros((HIDDEN,), dtype=jnp.float32)
    W2 = _xavier(k5, (HIDDEN, HIDDEN))
    b2 = jnp.zeros((HIDDEN,), dtype=jnp.float32)
    return {"v": v, "e": e, "edge_index": edge_index, "W1": W1, "b1": b1, "W2": W2, "b2": b2}

def reference(v, e, edge_index, W1, b1, W2, b2):
    shift = jnp.log(2.0).astype(jnp.float32)
    i = edge_index[1]
    out = jax.ops.segment_sum(e, i, num_segments=v.shape[0])
    out = out @ W1.T + b1
    out = jax.nn.softplus(out) - shift
    out = out @ W2.T + b2
    return v + out

if __name__ == "__main__":
    import jax
    _d = setup_inputs()
    print(jax.jit(kernel)(*tuple(_d.values())))

</pallas_src>

<mosaic_0001>
#map = affine_map<(d0, d1) -> (0, 0)>
#map1 = affine_map<(d0, d1) -> (0, 0, 0)>
module attributes {stable_mosaic.version = 14 : i64} {
  func.func @seg(%arg0: i32, %arg1: i32, %arg2: memref<320000x128xf32, #tpu.memory_space<hbm>>, %arg3: memref<32x125x80xi32, #tpu.memory_space<hbm>>, %arg4: memref<632x128xf32, #tpu.memory_space<hbm>>, %arg5: memref<20224x128xf32, #tpu.memory_space<hbm>>, %arg6: memref<125x80xi32, #tpu.memory_space<vmem>>, %arg7: memref<10112x128xf32, #tpu.memory_space<vmem_shared>>, %arg8: memref<3x!tpu.dma_semaphore, #tpu.memory_space<semaphore_mem>>, %arg9: memref<!tpu.dma_semaphore, #tpu.memory_space<semaphore_mem>>) attributes {dimension_semantics = [#tpu.dimension_semantics<core_parallel>, #tpu.dimension_semantics<subcore_parallel>], iteration_bounds = array<i64: 2, 16>, scalar_prefetch = 0 : i64, scratch_operands = 4 : i64, tpu.core_type = #tpu.core_type<sc_vector_subcore>, window_params = [{transform_indices = #map}, {transform_indices = #map1}, {transform_indices = #map}, {transform_indices = #map}]} {
    "tpu.region"() ({
      %run_scoped3A = memref.alloca() : memref<3x80x128xf32, #tpu.memory_space<vmem>>
      %mul3A = arith.constant 2 : i32
      %mul3A_0 = arith.muli %arg1, %mul3A : i32
      %add3A = arith.addi %mul3A_0, %arg0 : i32
      %mul3A_1 = arith.constant 10000 : i32
      %mul3A_2 = arith.muli %add3A, %mul3A_1 : i32
      %add3A_3 = arith.constant 0 : i32
      %add3A_4 = arith.addi %mul3A_2, %add3A_3 : i32
      %dma_start3A = arith.constant 0 : i32
      %dma_start3A_5 = arith.constant 0 : i32
      %dma_start3A_6 = arith.constant 0 : i32
      %dma_start3A_7 = arith.constant 0 : i32
      %dma_start3A_8 = tpu.memref_slice %run_scoped3A[%dma_start3A, %dma_start3A_6, %dma_start3A_7] : memref<3x80x128xf32, #tpu.memory_space<vmem>> -> memref<1x80x128xf32, #tpu.memory_space<vmem>>
      %dma_start3A_9 = tpu.memref_squeeze %dma_start3A_8 : memref<1x80x128xf32, #tpu.memory_space<vmem>> -> memref<80x128xf32, #tpu.memory_space<vmem>>
      %dma_start3A_10 = arith.constant 0 : i32
      %dma_start3A_11 = tpu.memref_slice %arg2[%add3A_4, %dma_start3A_10] : memref<320000x128xf32, #tpu.memory_space<hbm>> -> memref<80x128xf32, #tpu.memory_space<hbm>>
      %dma_start3A_12 = tpu.memref_slice %arg8[%dma_start3A_5] : memref<3x!tpu.dma_semaphore, #tpu.memory_space<semaphore_mem>> -> memref<1x!tpu.dma_semaphore, #tpu.memory_space<semaphore_mem>>
      %dma_start3A_13 = tpu.memref_squeeze %dma_start3A_12 : memref<1x!tpu.dma_semaphore, #tpu.memory_space<semaphore_mem>> -> memref<!tpu.dma_semaphore, #tpu.memory_space<semaphore_mem>>
      %dma_start3A_14 = arith.constant 0 : i32
      %dma_start3A_15 = arith.constant 0 : i32
      %dma_start3A_16 = tpu.memref_slice %run_scoped3A[%dma_start3A, %dma_start3A_14, %dma_start3A_15] : memref<3x80x128xf32, #tpu.memory_space<vmem>> -> memref<1x80x128xf32, #tpu.memory_space<vmem>>
      %dma_start3A_17 = tpu.memref_squeeze %dma_start3A_16 : memref<1x80x128xf32, #tpu.memory_space<vmem>> -> memref<80x128xf32, #tpu.memory_space<vmem>>
      %dma_start3A_18 = arith.constant 0 : i32
      %dma_start3A_19 = tpu.memref_slice %arg2[%add3A_4, %dma_start3A_18] : memref<320000x128xf32, #tpu.memory_space<hbm>> -> memref<80x128xf32, #tpu.memory_space<hbm>>
      tpu.enqueue_dma source(%dma_start3A_19 : memref<80x128xf32, #tpu.memory_space<hbm>>) target(%dma_start3A_17 : memref<80x128xf32, #tpu.memory_space<vmem>>) target_semaphore(%dma_start3A_13 : memref<!tpu.dma_semaphore, #tpu.memory_space<semaphore_mem>>)
      %add3A_20 = arith.constant 80 : i32
      %add3A_21 = arith.addi %mul3A_2, %add3A_20 : i32
      %dma_start3A_22 = arith.constant 1 : i32
      %dma_start3A_23 = arith.constant 1 : i32
      %dma_start3A_24 = arith.constant 0 : i32
      %dma_start3A_25 = arith.constant 0 : i32
      %dma_start3A_26 = tpu.memref_slice %run_scoped3A[%dma_start3A_22, %dma_start3A_24, %dma_start3A_25] : memref<3x80x128xf32, #tpu.memory_space<vmem>> -> memref<1x80x128xf32, #tpu.memory_space<vmem>>
      %dma_start3A_27 = tpu.memref_squeeze %dma_start3A_26 : memref<1x80x128xf32, #tpu.memory_space<vmem>> -> memref<80x128xf32, #tpu.memory_space<vmem>>
      %dma_start3A_28 = arith.constant 0 : i32
      %dma_start3A_29 = tpu.memref_slice %arg2[%add3A_21, %dma_start3A_28] : memref<320000x128xf32, #tpu.memory_space<hbm>> -> memref<80x128xf32, #tpu.memory_space<hbm>>
      %dma_start3A_30 = tpu.memref_slice %arg8[%dma_start3A_23] : memref<3x!tpu.dma_semaphore, #tpu.memory_space<semaphore_mem>> -> memref<1x!tpu.dma_semaphore, #tpu.memory_space<semaphore_mem>>
      %dma_start3A_31 = tpu.memref_squeeze %dma_start3A_30 : memref<1x!tpu.dma_semaphore, #tpu.memory_space<semaphore_mem>> -> memref<!tpu.dma_semaphore, #tpu.memory_space<semaphore_mem>>
      %dma_start3A_32 = arith.constant 0 : i32
      %dma_start3A_33 = arith.constant 0 : i32
      %dma_start3A_34 = tpu.memref_slice %run_scoped3A[%dma_start3A_22, %dma_start3A_32, %dma_start3A_33] : memref<3x80x128xf32, #tpu.memory_space<vmem>> -> memref<1x80x128xf32, #tpu.memory_space<vmem>>
      %dma_start3A_35 = tpu.memref_squeeze %dma_start3A_34 : memref<1x80x128xf32, #tpu.memory_space<vmem>> -> memref<80x128xf32, #tpu.memory_space<vmem>>
      %dma_start3A_36 = arith.constant 0 : i32
      %dma_start3A_37 = tpu.memref_slice %arg2[%add3A_21, %dma_start3A_36] : memref<320000x128xf32, #tpu.memory_space<hbm>> -> memref<80x128xf32, #tpu.memory_space<hbm>>
      tpu.enqueue_dma source(%dma_start3A_37 : memref<80x128xf32, #tpu.memory_space<hbm>>) target(%dma_start3A_35 : memref<80x128xf32, #tpu.memory_space<vmem>>) target_semaphore(%dma_start3A_31 : memref<!tpu.dma_semaphore, #tpu.memory_space<semaphore_mem>>)
      %add3A_38 = arith.constant 160 : i32
      %add3A_39 = arith.addi %mul3A_2, %add3A_38 : i32
      %dma_start3A_40 = arith.constant 2 : i32
      %dma_start3A_41 = arith.constant 2 : i32
      %dma_start3A_42 = arith.constant 0 : i32
      %dma_start3A_43 = arith.constant 0 : i32
      %dma_start3A_44 = tpu.memref_slice %run_scoped3A[%dma_start3A_40, %dma_start3A_42, %dma_start3A_43] : memref<3x80x128xf32, #tpu.memory_space<vmem>> -> memref<1x80x128xf32, #tpu.memory_space<vmem>>
      %dma_start3A_45 = tpu.memref_squeeze %dma_start3A_44 : memref<1x80x128xf32, #tpu.memory_space<vmem>> -> memref<80x128xf32, #tpu.memory_space<vmem>>
      %dma_start3A_46 = arith.constant 0 : i32
      %dma_start3A_47 = tpu.memref_slice %arg2[%add3A_39, %dma_start3A_46] : memref<320000x128xf32, #tpu.memory_space<hbm>> -> memref<80x128xf32, #tpu.memory_space<hbm>>
      %dma_start3A_48 = tpu.memref_slice %arg8[%dma_start3A_41] : memref<3x!tpu.dma_semaphore, #tpu.memory_space<semaphore_mem>> -> memref<1x!tpu.dma_semaphore, #tpu.memory_space<semaphore_mem>>
      %dma_start3A_49 = tpu.memref_squeeze %dma_start3A_48 : memref<1x!tpu.dma_semaphore, #tpu.memory_space<semaphore_mem>> -> memref<!tpu.dma_semaphore, #tpu.memory_space<semaphore_mem>>
      %dma_start3A_50 = arith.constant 0 : i32
      %dma_start3A_51 = arith.constant 0 : i32
      %dma_start3A_52 = tpu.memref_slice %run_scoped3A[%dma_start3A_40, %dma_start3A_50, %dma_start3A_51] : memref<3x80x128xf32, #tpu.memory_space<vmem>> -> memref<1x80x128xf32, #tpu.memory_space<vmem>>
      %dma_start3A_53 = tpu.memref_squeeze %dma_start3A_52 : memref<1x80x128xf32, #tpu.memory_space<vmem>> -> memref<80x128xf32, #tpu.memory_space<vmem>>
      %dma_start3A_54 = arith.constant 0 : i32
      %dma_start3A_55 = tpu.memref_slice %arg2[%add3A_39, %dma_start3A_54] : memref<320000x128xf32, #tpu.memory_space<hbm>> -> memref<80x128xf32, #tpu.memory_space<hbm>>
      tpu.enqueue_dma source(%dma_start3A_55 : memref<80x128xf32, #tpu.memory_space<hbm>>) target(%dma_start3A_53 : memref<80x128xf32, #tpu.memory_space<vmem>>) target_semaphore(%dma_start3A_49 : memref<!tpu.dma_semaphore, #tpu.memory_space<semaphore_mem>>)
      %dma_start3A_56 = arith.constant 0 : i32
      %dma_start3A_57 = arith.constant 0 : i32
      %dma_start3A_58 = tpu.memref_slice %arg3[%add3A, %dma_start3A_56, %dma_start3A_57] : memref<32x125x80xi32, #tpu.memory_space<hbm>> -> memref<1x125x80xi32, #tpu.memory_space<hbm>>
      %dma_start3A_59 = tpu.memref_squeeze %dma_start3A_58 : memref<1x125x80xi32, #tpu.memory_space<hbm>> -> memref<125x80xi32, #tpu.memory_space<hbm>>
      %dma_start3A_60 = arith.constant 0 : i32
      %dma_start3A_61 = arith.constant 0 : i32
      %dma_start3A_62 = tpu.memref_slice %arg3[%add3A, %dma_start3A_60, %dma_start3A_61] : memref<32x125x80xi32, #tpu.memory_space<hbm>> -> memref<1x125x80xi32, #tpu.memory_space<hbm>>
      %dma_start3A_63 = tpu.memref_squeeze %dma_start3A_62 : memref<1x125x80xi32, #tpu.memory_space<hbm>> -> memref<125x80xi32, #tpu.memory_space<hbm>>
      tpu.enqueue_dma source(%dma_start3A_63 : memref<125x80xi32, #tpu.memory_space<hbm>>) target(%arg6 : memref<125x80xi32, #tpu.memory_space<vmem>>) target_semaphore(%arg9 : memref<!tpu.dma_semaphore, #tpu.memory_space<semaphore_mem>>)
      %mul3A_64 = arith.constant 632 : i32
      %mul3A_65 = arith.muli %arg1, %mul3A_64 : i32
      "tpu.region"() ({
        %run_scoped3A_137 = tpu.sem_alloc : memref<!tpu.dma_semaphore, #tpu.memory_space<semaphore_mem>>
        %dma_start3A_138 = arith.constant 0 : i32
        %dma_start3A_139 = tpu.memref_slice %arg7[%mul3A_65, %dma_start3A_138] : memref<10112x128xf32, #tpu.memory_space<vmem_shared>> -> memref<632x128xf32, #tpu.memory_space<vmem_shared>>
        tpu.enqueue_dma source(%arg4 : memref<632x128xf32, #tpu.memory_space<hbm>>) target(%dma_start3A_139 : memref<632x128xf32, #tpu.memory_space<vmem_shared>>) target_semaphore(%run_scoped3A_137 : memref<!tpu.dma_semaphore, #tpu.memory_space<semaphore_mem>>)
        %dma_wait3A_140 = arith.constant 0 : i32
        %dma_wait3A_141 = tpu.memref_slice %arg7[%mul3A_65, %dma_wait3A_140] : memref<10112x128xf32, #tpu.memory_space<vmem_shared>> -> memref<632x128xf32, #tpu.memory_space<vmem_shared>>
        tpu.wait_dma2 semaphore(%run_scoped3A_137 : memref<!tpu.dma_semaphore, #tpu.memory_space<semaphore_mem>>) src(%arg4 : memref<632x128xf32, #tpu.memory_space<hbm>>) dst(%dma_wait3A_141 : memref<632x128xf32, #tpu.memory_space<vmem_shared>>)
        tpu.yield
      }) : () -> ()
      %dma_wait3A = arith.constant 0 : i32
      %dma_wait3A_66 = arith.constant 0 : i32
      %dma_wait3A_67 = tpu.memref_slice %arg3[%add3A, %dma_wait3A, %dma_wait3A_66] : memref<32x125x80xi32, #tpu.memory_space<hbm>> -> memref<1x125x80xi32, #tpu.memory_space<hbm>>
      %dma_wait3A_68 = tpu.memref_squeeze %dma_wait3A_67 : memref<1x125x80xi32, #tpu.memory_space<hbm>> -> memref<125x80xi32, #tpu.memory_space<hbm>>
      %dma_wait3A_69 = arith.constant 0 : i32
      %dma_wait3A_70 = arith.constant 0 : i32
      %dma_wait3A_71 = tpu.memref_slice %arg3[%add3A, %dma_wait3A_69, %dma_wait3A_70] : memref<32x125x80xi32, #tpu.memory_space<hbm>> -> memref<1x125x80xi32, #tpu.memory_space<hbm>>
      %dma_wait3A_72 = tpu.memref_squeeze %dma_wait3A_71 : memref<1x125x80xi32, #tpu.memory_space<hbm>> -> memref<125x80xi32, #tpu.memory_space<hbm>>
      tpu.wait_dma2 semaphore(%arg9 : memref<!tpu.dma_semaphore, #tpu.memory_space<semaphore_mem>>) src(%dma_wait3A_72 : memref<125x80xi32, #tpu.memory_space<hbm>>) dst(%arg6 : memref<125x80xi32, #tpu.memory_space<vmem>>)
      %barrier3A = arith.constant 0 : index
      tpu.barrier barrier_id(%barrier3A)
      %scan3A = arith.constant 0 : i32
      %scan3A_73 = arith.constant 41 : i32
      %scan3A_74 = arith.addi %scan3A, %scan3A_73 : i32
      %scan3A_75 = arith.constant 1 : i32
      scf.for %scan3A_137 = %scan3A to %scan3A_74 step %scan3A_75  : i32 {
        %mul3A_138 = arith.constant 3 : i32
        %mul3A_139 = arith.muli %scan3A_137, %mul3A_138 : i32
        %add3A_140 = arith.constant 0 : i32
        %add3A_141 = arith.addi %add3A_140, %mul3A_139 : i32
        %add3A_142 = arith.constant 0 : i32
        %add3A_143 = arith.addi %add3A_141, %add3A_142 : i32
        %dma_wait3A_144 = arith.constant 0 : i32
        %dma_wait3A_145 = arith.constant 0 : i32
        %dma_wait3A_146 = arith.constant 0 : i32
        %dma_wait3A_147 = arith.constant 0 : i32
        %dma_wait3A_148 = tpu.memref_slice %run_scoped3A[%dma_wait3A_144, %dma_wait3A_146, %dma_wait3A_147] : memref<3x80x128xf32, #tpu.memory_space<vmem>> -> memref<1x80x128xf32, #tpu.memory_space<vmem>>
        %dma_wait3A_149 = tpu.memref_squeeze %dma_wait3A_148 : memref<1x80x128xf32, #tpu.memory_space<vmem>> -> memref<80x128xf32, #tpu.memory_space<vmem>>
        %dma_wait3A_150 = arith.constant 0 : i32
        %dma_wait3A_151 = tpu.memref_slice %arg2[%mul3A_2, %dma_wait3A_150] : memref<320000x128xf32, #tpu.memory_space<hbm>> -> memref<80x128xf32, #tpu.memory_space<hbm>>
        %dma_wait3A_152 = tpu.memref_slice %arg8[%dma_wait3A_145] : memref<3x!tpu.dma_semaphore, #tpu.memory_space<semaphore_mem>> -> memref<1x!tpu.dma_semaphore, #tpu.memory_space<semaphore_mem>>
        %dma_wait3A_153 = tpu.memref_squeeze %dma_wait3A_152 : memref<1x!tpu.dma_semaphore, #tpu.memory_space<semaphore_mem>> -> memref<!tpu.dma_semaphore, #tpu.memory_space<semaphore_mem>>
        %dma_wait3A_154 = arith.constant 0 : i32
        %dma_wait3A_155 = arith.constant 0 : i32
        %dma_wait3A_156 = tpu.memref_slice %run_scoped3A[%dma_wait3A_144, %dma_wait3A_154, %dma_wait3A_155] : memref<3x80x128xf32, #tpu.memory_space<vmem>> -> memref<1x80x128xf32, #tpu.memory_space<vmem>>
        %dma_wait3A_157 = tpu.memref_squeeze %dma_wait3A_156 : memref<1x80x128xf32, #tpu.memory_space<vmem>> -> memref<80x128xf32, #tpu.memory_space<vmem>>
        %dma_wait3A_158 = arith.constant 0 : i32
        %dma_wait3A_159 = tpu.memref_slice %arg2[%mul3A_2, %dma_wait3A_158] : memref<320000x128xf32, #tpu.memory_space<hbm>> -> memref<80x128xf32, #tpu.memory_space<hbm>>
        tpu.wait_dma2 semaphore(%dma_wait3A_153 : memref<!tpu.dma_semaphore, #tpu.memory_space<semaphore_mem>>) src(%dma_wait3A_159 : memref<80x128xf32, #tpu.memory_space<hbm>>) dst(%dma_wait3A_157 : memref<80x128xf32, #tpu.memory_space<vmem>>)
        %run_scoped3A_160 = arith.constant 0 : i32
        "tpu.region"() ({
          %run_scoped3A_262 = tpu.sem_alloc : memref<!tpu.dma_semaphore, #tpu.memory_space<semaphore_mem>>
          %dma_start3A_263 = arith.constant 0 : i32
          %dma_start3A_264 = arith.constant 0 : i32
          %dma_start3A_265 = tpu.memref_slice %run_scoped3A[%run_scoped3A_160, %dma_start3A_263, %dma_start3A_264] : memref<3x80x128xf32, #tpu.memory_space<vmem>> -> memref<1x80x128xf32, #tpu.memory_space<vmem>>
          %dma_start3A_266 = tpu.memref_squeeze %dma_start3A_265 : memref<1x80x128xf32, #tpu.memory_space<vmem>> -> memref<80x128xf32, #tpu.memory_space<vmem>>
          %dma_start3A_267 = arith.constant 0 : i32
          %dma_start3A_268 = tpu.memref_slice %arg6[%add3A_143, %dma_start3A_267] : memref<125x80xi32, #tpu.memory_space<vmem>> -> memref<1x80xi32, #tpu.memory_space<vmem>>
          %dma_start3A_269 = tpu.memref_squeeze %dma_start3A_268 : memref<1x80xi32, #tpu.memory_space<vmem>> -> memref<80xi32, #tpu.memory_space<vmem>>
          %dma_start3A_270 = arith.constant 0 : i32
          %dma_start3A_271 = arith.constant 0 : i32
          %dma_start3A_272 = tpu.memref_slice %arg7[%dma_start3A_270, %dma_start3A_271] : memref<10112x128xf32, #tpu.memory_space<vmem_shared>> -> memref<10112x128xf32, #tpu.memory_space<vmem_shared>>
          tpu.enqueue_indirect_dma source(%dma_start3A_266 : memref<80x128xf32, #tpu.memory_space<vmem>>) target(%dma_start3A_272 : memref<10112x128xf32, #tpu.memory_space<vmem_shared>>) offsets(%dma_start3A_269 : memref<80xi32, #tpu.memory_space<vmem>>) semaphore(%run_scoped3A_262 : memref<!tpu.dma_semaphore, #tpu.memory_space<semaphore_mem>>) {add = true}
          %dma_wait3A_273 = arith.constant 0 : i32
          %dma_wait3A_274 = arith.constant 0 : i32
          %dma_wait3A_275 = tpu.memref_slice %run_scoped3A[%run_scoped3A_160, %dma_wait3A_273, %dma_wait3A_274] : memref<3x80x128xf32, #tpu.memory_space<vmem>> -> memref<1x80x128xf32, #tpu.memory_space<vmem>>
          %dma_wait3A_276 = tpu.memref_squeeze %dma_wait3A_275 : memref<1x80x128xf32, #tpu.memory_space<vmem>> -> memref<80x128xf32, #tpu.memory_space<vmem>>
          %dma_wait3A_277 = arith.constant 0 : i32
          %dma_wait3A_278 = tpu.memref_slice %arg6[%add3A_143, %dma_wait3A_277] : memref<125x80xi32, #tpu.memory_space<vmem>> -> memref<1x80xi32, #tpu.memory_space<vmem>>
          %dma_wait3A_279 = tpu.memref_squeeze %dma_wait3A_278 : memref<1x80xi32, #tpu.memory_space<vmem>> -> memref<80xi32, #tpu.memory_space<vmem>>
          %dma_wait3A_280 = arith.constant 0 : i32
          %dma_wait3A_281 = arith.constant 0 : i32
          %dma_wait3A_282 = tpu.memref_slice %arg7[%dma_wait3A_280, %dma_wait3A_281] : memref<10112x128xf32, #tpu.memory_space<vmem_shared>> -> memref<10112x128xf32, #tpu.memory_space<vmem_shared>>
          tpu.wait_indirect_dma semaphore(%run_scoped3A_262 : memref<!tpu.dma_semaphore, #tpu.memory_space<semaphore_mem>>) src(%dma_wait3A_276 : memref<80x128xf32, #tpu.memory_space<vmem>>) dst(%dma_wait3A_282 : memref<10112x128xf32, #tpu.memory_space<vmem_shared>>)
          tpu.yield
        }) : () -> ()
        %add3A_161 = arith.constant 3 : i32
        %add3A_162 = arith.addi %add3A_143, %add3A_161 : i32
        %mul3A_163 = arith.constant 80 : i32
        %mul3A_164 = arith.muli %add3A_162, %mul3A_163 : i32
        %add3A_165 = arith.addi %mul3A_2, %mul3A_164 : i32
        %dma_start3A_166 = arith.constant 0 : i32
        %dma_start3A_167 = arith.constant 0 : i32
        %dma_start3A_168 = arith.constant 0 : i32
        %dma_start3A_169 = arith.constant 0 : i32
        %dma_start3A_170 = tpu.memref_slice %run_scoped3A[%dma_start3A_166, %dma_start3A_168, %dma_start3A_169] : memref<3x80x128xf32, #tpu.memory_space<vmem>> -> memref<1x80x128xf32, #tpu.memory_space<vmem>>
        %dma_start3A_171 = tpu.memref_squeeze %dma_start3A_170 : memref<1x80x128xf32, #tpu.memory_space<vmem>> -> memref<80x128xf32, #tpu.memory_space<vmem>>
        %dma_start3A_172 = arith.constant 0 : i32
        %dma_start3A_173 = tpu.memref_slice %arg2[%add3A_165, %dma_start3A_172] : memref<320000x128xf32, #tpu.memory_space<hbm>> -> memref<80x128xf32, #tpu.memory_space<hbm>>
        %dma_start3A_174 = tpu.memref_slice %arg8[%dma_start3A_167] : memref<3x!tpu.dma_semaphore, #tpu.memory_space<semaphore_mem>> -> memref<1x!tpu.dma_semaphore, #tpu.memory_space<semaphore_mem>>
        %dma_start3A_175 = tpu.memref_squeeze %dma_start3A_174 : memref<1x!tpu.dma_semaphore, #tpu.memory_space<semaphore_mem>> -> memref<!tpu.dma_semaphore, #tpu.memory_space<semaphore_mem>>
        %dma_start3A_176 = arith.constant 0 : i32
        %dma_start3A_177 = arith.constant 0 : i32
        %dma_start3A_178 = tpu.memref_slice %run_scoped3A[%dma_start3A_166, %dma_start3A_176, %dma_start3A_177] : memref<3x80x128xf32, #tpu.memory_space<vmem>> -> memref<1x80x128xf32, #tpu.memory_space<vmem>>
        %dma_start3A_179 = tpu.memref_squeeze %dma_start3A_178 : memref<1x80x128xf32, #tpu.memory_space<vmem>> -> memref<80x128xf32, #tpu.memory_space<vmem>>
        %dma_start3A_180 = arith.constant 0 : i32
        %dma_start3A_181 = tpu.memref_slice %arg2[%add3A_165, %dma_start3A_180] : memref<320000x128xf32, #tpu.memory_space<hbm>> -> memref<80x128xf32, #tpu.memory_space<hbm>>
        tpu.enqueue_dma source(%dma_start3A_181 : memref<80x128xf32, #tpu.memory_space<hbm>>) target(%dma_start3A_179 : memref<80x128xf32, #tpu.memory_space<vmem>>) target_semaphore(%dma_start3A_175 : memref<!tpu.dma_semaphore, #tpu.memory_space<semaphore_mem>>)
        %add3A_182 = arith.constant 1 : i32
        %add3A_183 = arith.addi %add3A_141, %add3A_182 : i32
        %dma_wait3A_184 = arith.constant 1 : i32
        %dma_wait3A_185 = arith.constant 1 : i32
        %dma_wait3A_186 = arith.constant 0 : i32
        %dma_wait3A_187 = arith.constant 0 : i32
        %dma_wait3A_188 = tpu.memref_slice %run_scoped3A[%dma_wait3A_184, %dma_wait3A_186, %dma_wait3A_187] : memref<3x80x128xf32, #tpu.memory_space<vmem>> -> memref<1x80x128xf32, #tpu.memory_space<vmem>>
        %dma_wait3A_189 = tpu.memref_squeeze %dma_wait3A_188 : memref<1x80x128xf32, #tpu.memory_space<vmem>> -> memref<80x128xf32, #tpu.memory_space<vmem>>
        %dma_wait3A_190 = arith.constant 0 : i32
        %dma_wait3A_191 = tpu.memref_slice %arg2[%mul3A_2, %dma_wait3A_190] : memref<320000x128xf32, #tpu.memory_space<hbm>> -> memref<80x128xf32, #tpu.memory_space<hbm>>
        %dma_wait3A_192 = tpu.memref_slice %arg8[%dma_wait3A_185] : memref<3x!tpu.dma_semaphore, #tpu.memory_space<semaphore_mem>> -> memref<1x!tpu.dma_semaphore, #tpu.memory_space<semaphore_mem>>
        %dma_wait3A_193 = tpu.memref_squeeze %dma_wait3A_192 : memref<1x!tpu.dma_semaphore, #tpu.memory_space<semaphore_mem>> -> memref<!tpu.dma_semaphore, #tpu.memory_space<semaphore_mem>>
        %dma_wait3A_194 = arith.constant 0 : i32
        %dma_wait3A_195 = arith.constant 0 : i32
        %dma_wait3A_196 = tpu.memref_slice %run_scoped3A[%dma_wait3A_184, %dma_wait3A_194, %dma_wait3A_195] : memref<3x80x128xf32, #tpu.memory_space<vmem>> -> memref<1x80x128xf32, #tpu.memory_space<vmem>>
        %dma_wait3A_197 = tpu.memref_squeeze %dma_wait3A_196 : memref<1x80x128xf32, #tpu.memory_space<vmem>> -> memref<80x128xf32, #tpu.memory_space<vmem>>
        %dma_wait3A_198 = arith.constant 0 : i32
        %dma_wait3A_199 = tpu.memref_slice %arg2[%mul3A_2, %dma_wait3A_198] : memref<320000x128xf32, #tpu.memory_space<hbm>> -> memref<80x128xf32, #tpu.memory_space<hbm>>
        tpu.wait_dma2 semaphore(%dma_wait3A_193 : memref<!tpu.dma_semaphore, #tpu.memory_space<semaphore_mem>>) src(%dma_wait3A_199 : memref<80x128xf32, #tpu.memory_space<hbm>>) dst(%dma_wait3A_197 : memref<80x128xf32, #tpu.memory_space<vmem>>)
        %run_scoped3A_200 = arith.constant 1 : i32
        "tpu.region"() ({
          %run_scoped3A_262 = tpu.sem_alloc : memref<!tpu.dma_semaphore, #tpu.memory_space<semaphore_mem>>
          %dma_start3A_263 = arith.constant 0 : i32
          %dma_start3A_264 = arith.constant 0 : i32
          %dma_start3A_265 = tpu.memref_slice %run_scoped3A[%run_scoped3A_200, %dma_start3A_263, %dma_start3A_264] : memref<3x80x128xf32, #tpu.memory_space<vmem>> -> memref<1x80x128xf32, #tpu.memory_space<vmem>>
          %dma_start3A_266 = tpu.memref_squeeze %dma_start3A_265 : memref<1x80x128xf32, #tpu.memory_space<vmem>> -> memref<80x128xf32, #tpu.memory_space<vmem>>
          %dma_start3A_267 = arith.constant 0 : i32
          %dma_start3A_268 = tpu.memref_slice %arg6[%add3A_183, %dma_start3A_267] : memref<125x80xi32, #tpu.memory_space<vmem>> -> memref<1x80xi32, #tpu.memory_space<vmem>>
          %dma_start3A_269 = tpu.memref_squeeze %dma_start3A_268 : memref<1x80xi32, #tpu.memory_space<vmem>> -> memref<80xi32, #tpu.memory_space<vmem>>
          %dma_start3A_270 = arith.constant 0 : i32
          %dma_start3A_271 = arith.constant 0 : i32
          %dma_start3A_272 = tpu.memref_slice %arg7[%dma_start3A_270, %dma_start3A_271] : memref<10112x128xf32, #tpu.memory_space<vmem_shared>> -> memref<10112x128xf32, #tpu.memory_space<vmem_shared>>
          tpu.enqueue_indirect_dma source(%dma_start3A_266 : memref<80x128xf32, #tpu.memory_space<vmem>>) target(%dma_start3A_272 : memref<10112x128xf32, #tpu.memory_space<vmem_shared>>) offsets(%dma_start3A_269 : memref<80xi32, #tpu.memory_space<vmem>>) semaphore(%run_scoped3A_262 : memref<!tpu.dma_semaphore, #tpu.memory_space<semaphore_mem>>) {add = true}
          %dma_wait3A_273 = arith.constant 0 : i32
          %dma_wait3A_274 = arith.constant 0 : i32
          %dma_wait3A_275 = tpu.memref_slice %run_scoped3A[%run_scoped3A_200, %dma_wait3A_273, %dma_wait3A_274] : memref<3x80x128xf32, #tpu.memory_space<vmem>> -> memref<1x80x128xf32, #tpu.memory_space<vmem>>
          %dma_wait3A_276 = tpu.memref_squeeze %dma_wait3A_275 : memref<1x80x128xf32, #tpu.memory_space<vmem>> -> memref<80x128xf32, #tpu.memory_space<vmem>>
          %dma_wait3A_277 = arith.constant 0 : i32
          %dma_wait3A_278 = tpu.memref_slice %arg6[%add3A_183, %dma_wait3A_277] : memref<125x80xi32, #tpu.memory_space<vmem>> -> memref<1x80xi32, #tpu.memory_space<vmem>>
          %dma_wait3A_279 = tpu.memref_squeeze %dma_wait3A_278 : memref<1x80xi32, #tpu.memory_space<vmem>> -> memref<80xi32, #tpu.memory_space<vmem>>
          %dma_wait3A_280 = arith.constant 0 : i32
          %dma_wait3A_281 = arith.constant 0 : i32
          %dma_wait3A_282 = tpu.memref_slice %arg7[%dma_wait3A_280, %dma_wait3A_281] : memref<10112x128xf32, #tpu.memory_space<vmem_shared>> -> memref<10112x128xf32, #tpu.memory_space<vmem_shared>>
          tpu.wait_indirect_dma semaphore(%run_scoped3A_262 : memref<!tpu.dma_semaphore, #tpu.memory_space<semaphore_mem>>) src(%dma_wait3A_276 : memref<80x128xf32, #tpu.memory_space<vmem>>) dst(%dma_wait3A_282 : memref<10112x128xf32, #tpu.memory_space<vmem_shared>>)
          tpu.yield
        }) : () -> ()
        %add3A_201 = arith.constant 3 : i32
        %add3A_202 = arith.addi %add3A_183, %add3A_201 : i32
        %mul3A_203 = arith.constant 80 : i32
        %mul3A_204 = arith.muli %add3A_202, %mul3A_203 : i32
        %add3A_205 = arith.addi %mul3A_2, %mul3A_204 : i32
        %dma_start3A_206 = arith.constant 1 : i32
        %dma_start3A_207 = arith.constant 1 : i32
        %dma_start3A_208 = arith.constant 0 : i32
        %dma_start3A_209 = arith.constant 0 : i32
        %dma_start3A_210 = tpu.memref_slice %run_scoped3A[%dma_start3A_206, %dma_start3A_208, %dma_start3A_209] : memref<3x80x128xf32, #tpu.memory_space<vmem>> -> memref<1x80x128xf32, #tpu.memory_space<vmem>>
        %dma_start3A_211 = tpu.memref_squeeze %dma_start3A_210 : memref<1x80x128xf32, #tpu.memory_space<vmem>> -> memref<80x128xf32, #tpu.memory_space<vmem>>
        %dma_start3A_212 = arith.constant 0 : i32
        %dma_start3A_213 = tpu.memref_slice %arg2[%add3A_205, %dma_start3A_212] : memref<320000x128xf32, #tpu.memory_space<hbm>> -> memref<80x128xf32, #tpu.memory_space<hbm>>
        %dma_start3A_214 = tpu.memref_slice %arg8[%dma_start3A_207] : memref<3x!tpu.dma_semaphore, #tpu.memory_space<semaphore_mem>> -> memref<1x!tpu.dma_semaphore, #tpu.memory_space<semaphore_mem>>
        %dma_start3A_215 = tpu.memref_squeeze %dma_start3A_214 : memref<1x!tpu.dma_semaphore, #tpu.memory_space<semaphore_mem>> -> memref<!tpu.dma_semaphore, #tpu.memory_space<semaphore_mem>>
        %dma_start3A_216 = arith.constant 0 : i32
        %dma_start3A_217 = arith.constant 0 : i32
        %dma_start3A_218 = tpu.memref_slice %run_scoped3A[%dma_start3A_206, %dma_start3A_216, %dma_start3A_217] : memref<3x80x128xf32, #tpu.memory_space<vmem>> -> memref<1x80x128xf32, #tpu.memory_space<vmem>>
        %dma_start3A_219 = tpu.memref_squeeze %dma_start3A_218 : memref<1x80x128xf32, #tpu.memory_space<vmem>> -> memref<80x128xf32, #tpu.memory_space<vmem>>
        %dma_start3A_220 = arith.constant 0 : i32
        %dma_start3A_221 = tpu.memref_slice %arg2[%add3A_205, %dma_start3A_220] : memref<320000x128xf32, #tpu.memory_space<hbm>> -> memref<80x128xf32, #tpu.memory_space<hbm>>
        tpu.enqueue_dma source(%dma_start3A_221 : memref<80x128xf32, #tpu.memory_space<hbm>>) target(%dma_start3A_219 : memref<80x128xf32, #tpu.memory_space<vmem>>) target_semaphore(%dma_start3A_215 : memref<!tpu.dma_semaphore, #tpu.memory_space<semaphore_mem>>)
        %add3A_222 = arith.constant 2 : i32
        %add3A_223 = arith.addi %add3A_141, %add3A_222 : i32
        %dma_wait3A_224 = arith.constant 2 : i32
        %dma_wait3A_225 = arith.constant 2 : i32
        %dma_wait3A_226 = arith.constant 0 : i32
        %dma_wait3A_227 = arith.constant 0 : i32
        %dma_wait3A_228 = tpu.memref_slice %run_scoped3A[%dma_wait3A_224, %dma_wait3A_226, %dma_wait3A_227] : memref<3x80x128xf32, #tpu.memory_space<vmem>> -> memref<1x80x128xf32, #tpu.memory_space<vmem>>
        %dma_wait3A_229 = tpu.memref_squeeze %dma_wait3A_228 : memref<1x80x128xf32, #tpu.memory_space<vmem>> -> memref<80x128xf32, #tpu.memory_space<vmem>>
        %dma_wait3A_230 = arith.constant 0 : i32
        %dma_wait3A_231 = tpu.memref_slice %arg2[%mul3A_2, %dma_wait3A_230] : memref<320000x128xf32, #tpu.memory_space<hbm>> -> memref<80x128xf32, #tpu.memory_space<hbm>>
        %dma_wait3A_232 = tpu.memref_slice %arg8[%dma_wait3A_225] : memref<3x!tpu.dma_semaphore, #tpu.memory_space<semaphore_mem>> -> memref<1x!tpu.dma_semaphore, #tpu.memory_space<semaphore_mem>>
        %dma_wait3A_233 = tpu.memref_squeeze %dma_wait3A_232 : memref<1x!tpu.dma_semaphore, #tpu.memory_space<semaphore_mem>> -> memref<!tpu.dma_semaphore, #tpu.memory_space<semaphore_mem>>
        %dma_wait3A_234 = arith.constant 0 : i32
        %dma_wait3A_235 = arith.constant 0 : i32
        %dma_wait3A_236 = tpu.memref_slice %run_scoped3A[%dma_wait3A_224, %dma_wait3A_234, %dma_wait3A_235] : memref<3x80x128xf32, #tpu.memory_space<vmem>> -> memref<1x80x128xf32, #tpu.memory_space<vmem>>
        %dma_wait3A_237 = tpu.memref_squeeze %dma_wait3A_236 : memref<1x80x128xf32, #tpu.memory_space<vmem>> -> memref<80x128xf32, #tpu.memory_space<vmem>>
        %dma_wait3A_238 = arith.constant 0 : i32
        %dma_wait3A_239 = tpu.memref_slice %arg2[%mul3A_2, %dma_wait3A_238] : memref<320000x128xf32, #tpu.memory_space<hbm>> -> memref<80x128xf32, #tpu.memory_space<hbm>>
        tpu.wait_dma2 semaphore(%dma_wait3A_233 : memref<!tpu.dma_semaphore, #tpu.memory_space<semaphore_mem>>) src(%dma_wait3A_239 : memref<80x128xf32, #tpu.memory_space<hbm>>) dst(%dma_wait3A_237 : memref<80x128xf32, #tpu.memory_space<vmem>>)
        %run_scoped3A_240 = arith.constant 2 : i32
        "tpu.region"() ({
          %run_scoped3A_262 = tpu.sem_alloc : memref<!tpu.dma_semaphore, #tpu.memory_space<semaphore_mem>>
          %dma_start3A_263 = arith.constant 0 : i32
          %dma_start3A_264 = arith.constant 0 : i32
          %dma_start3A_265 = tpu.memref_slice %run_scoped3A[%run_scoped3A_240, %dma_start3A_263, %dma_start3A_264] : memref<3x80x128xf32, #tpu.memory_space<vmem>> -> memref<1x80x128xf32, #tpu.memory_space<vmem>>
          %dma_start3A_266 = tpu.memref_squeeze %dma_start3A_265 : memref<1x80x128xf32, #tpu.memory_space<vmem>> -> memref<80x128xf32, #tpu.memory_space<vmem>>
          %dma_start3A_267 = arith.constant 0 : i32
          %dma_start3A_268 = tpu.memref_slice %arg6[%add3A_223, %dma_start3A_267] : memref<125x80xi32, #tpu.memory_space<vmem>> -> memref<1x80xi32, #tpu.memory_space<vmem>>
          %dma_start3A_269 = tpu.memref_squeeze %dma_start3A_268 : memref<1x80xi32, #tpu.memory_space<vmem>> -> memref<80xi32, #tpu.memory_space<vmem>>
          %dma_start3A_270 = arith.constant 0 : i32
          %dma_start3A_271 = arith.constant 0 : i32
          %dma_start3A_272 = tpu.memref_slice %arg7[%dma_start3A_270, %dma_start3A_271] : memref<10112x128xf32, #tpu.memory_space<vmem_shared>> -> memref<10112x128xf32, #tpu.memory_space<vmem_shared>>
          tpu.enqueue_indirect_dma source(%dma_start3A_266 : memref<80x128xf32, #tpu.memory_space<vmem>>) target(%dma_start3A_272 : memref<10112x128xf32, #tpu.memory_space<vmem_shared>>) offsets(%dma_start3A_269 : memref<80xi32, #tpu.memory_space<vmem>>) semaphore(%run_scoped3A_262 : memref<!tpu.dma_semaphore, #tpu.memory_space<semaphore_mem>>) {add = true}
          %dma_wait3A_273 = arith.constant 0 : i32
          %dma_wait3A_274 = arith.constant 0 : i32
          %dma_wait3A_275 = tpu.memref_slice %run_scoped3A[%run_scoped3A_240, %dma_wait3A_273, %dma_wait3A_274] : memref<3x80x128xf32, #tpu.memory_space<vmem>> -> memref<1x80x128xf32, #tpu.memory_space<vmem>>
          %dma_wait3A_276 = tpu.memref_squeeze %dma_wait3A_275 : memref<1x80x128xf32, #tpu.memory_space<vmem>> -> memref<80x128xf32, #tpu.memory_space<vmem>>
          %dma_wait3A_277 = arith.constant 0 : i32
          %dma_wait3A_278 = tpu.memref_slice %arg6[%add3A_223, %dma_wait3A_277] : memref<125x80xi32, #tpu.memory_space<vmem>> -> memref<1x80xi32, #tpu.memory_space<vmem>>
          %dma_wait3A_279 = tpu.memref_squeeze %dma_wait3A_278 : memref<1x80xi32, #tpu.memory_space<vmem>> -> memref<80xi32, #tpu.memory_space<vmem>>
          %dma_wait3A_280 = arith.constant 0 : i32
          %dma_wait3A_281 = arith.constant 0 : i32
          %dma_wait3A_282 = tpu.memref_slice %arg7[%dma_wait3A_280, %dma_wait3A_281] : memref<10112x128xf32, #tpu.memory_space<vmem_shared>> -> memref<10112x128xf32, #tpu.memory_space<vmem_shared>>
          tpu.wait_indirect_dma semaphore(%run_scoped3A_262 : memref<!tpu.dma_semaphore, #tpu.memory_space<semaphore_mem>>) src(%dma_wait3A_276 : memref<80x128xf32, #tpu.memory_space<vmem>>) dst(%dma_wait3A_282 : memref<10112x128xf32, #tpu.memory_space<vmem_shared>>)
          tpu.yield
        }) : () -> ()
        %add3A_241 = arith.constant 3 : i32
        %add3A_242 = arith.addi %add3A_223, %add3A_241 : i32
        %mul3A_243 = arith.constant 80 : i32
        %mul3A_244 = arith.muli %add3A_242, %mul3A_243 : i32
        %add3A_245 = arith.addi %mul3A_2, %mul3A_244 : i32
        %dma_start3A_246 = arith.constant 2 : i32
        %dma_start3A_247 = arith.constant 2 : i32
        %dma_start3A_248 = arith.constant 0 : i32
        %dma_start3A_249 = arith.constant 0 : i32
        %dma_start3A_250 = tpu.memref_slice %run_scoped3A[%dma_start3A_246, %dma_start3A_248, %dma_start3A_249] : memref<3x80x128xf32, #tpu.memory_space<vmem>> -> memref<1x80x128xf32, #tpu.memory_space<vmem>>
        %dma_start3A_251 = tpu.memref_squeeze %dma_start3A_250 : memref<1x80x128xf32, #tpu.memory_space<vmem>> -> memref<80x128xf32, #tpu.memory_space<vmem>>
        %dma_start3A_252 = arith.constant 0 : i32
        %dma_start3A_253 = tpu.memref_slice %arg2[%add3A_245, %dma_start3A_252] : memref<320000x128xf32, #tpu.memory_space<hbm>> -> memref<80x128xf32, #tpu.memory_space<hbm>>
        %dma_start3A_254 = tpu.memref_slice %arg8[%dma_start3A_247] : memref<3x!tpu.dma_semaphore, #tpu.memory_space<semaphore_mem>> -> memref<1x!tpu.dma_semaphore, #tpu.memory_space<semaphore_mem>>
        %dma_start3A_255 = tpu.memref_squeeze %dma_start3A_254 : memref<1x!tpu.dma_semaphore, #tpu.memory_space<semaphore_mem>> -> memref<!tpu.dma_semaphore, #tpu.memory_space<semaphore_mem>>
        %dma_start3A_256 = arith.constant 0 : i32
        %dma_start3A_257 = arith.constant 0 : i32
        %dma_start3A_258 = tpu.memref_slice %run_scoped3A[%dma_start3A_246, %dma_start3A_256, %dma_start3A_257] : memref<3x80x128xf32, #tpu.memory_space<vmem>> -> memref<1x80x128xf32, #tpu.memory_space<vmem>>
        %dma_start3A_259 = tpu.memref_squeeze %dma_start3A_258 : memref<1x80x128xf32, #tpu.memory_space<vmem>> -> memref<80x128xf32, #tpu.memory_space<vmem>>
        %dma_start3A_260 = arith.constant 0 : i32
        %dma_start3A_261 = tpu.memref_slice %arg2[%add3A_245, %dma_start3A_260] : memref<320000x128xf32, #tpu.memory_space<hbm>> -> memref<80x128xf32, #tpu.memory_space<hbm>>
        tpu.enqueue_dma source(%dma_start3A_261 : memref<80x128xf32, #tpu.memory_space<hbm>>) target(%dma_start3A_259 : memref<80x128xf32, #tpu.memory_space<vmem>>) target_semaphore(%dma_start3A_255 : memref<!tpu.dma_semaphore, #tpu.memory_space<semaphore_mem>>)
      }
      %scan3A_76 = arith.constant 41 : i32
      %dma_wait3A_77 = arith.constant 0 : i32
      %dma_wait3A_78 = arith.constant 0 : i32
      %dma_wait3A_79 = arith.constant 0 : i32
      %dma_wait3A_80 = arith.constant 0 : i32
      %dma_wait3A_81 = tpu.memref_slice %run_scoped3A[%dma_wait3A_77, %dma_wait3A_79, %dma_wait3A_80] : memref<3x80x128xf32, #tpu.memory_space<vmem>> -> memref<1x80x128xf32, #tpu.memory_space<vmem>>
      %dma_wait3A_82 = tpu.memref_squeeze %dma_wait3A_81 : memref<1x80x128xf32, #tpu.memory_space<vmem>> -> memref<80x128xf32, #tpu.memory_space<vmem>>
      %dma_wait3A_83 = arith.constant 0 : i32
      %dma_wait3A_84 = tpu.memref_slice %arg2[%mul3A_2, %dma_wait3A_83] : memref<320000x128xf32, #tpu.memory_space<hbm>> -> memref<80x128xf32, #tpu.memory_space<hbm>>
      %dma_wait3A_85 = tpu.memref_slice %arg8[%dma_wait3A_78] : memref<3x!tpu.dma_semaphore, #tpu.memory_space<semaphore_mem>> -> memref<1x!tpu.dma_semaphore, #tpu.memory_space<semaphore_mem>>
      %dma_wait3A_86 = tpu.memref_squeeze %dma_wait3A_85 : memref<1x!tpu.dma_semaphore, #tpu.memory_space<semaphore_mem>> -> memref<!tpu.dma_semaphore, #tpu.memory_space<semaphore_mem>>
      %dma_wait3A_87 = arith.constant 0 : i32
      %dma_wait3A_88 = arith.constant 0 : i32
      %dma_wait3A_89 = tpu.memref_slice %run_scoped3A[%dma_wait3A_77, %dma_wait3A_87, %dma_wait3A_88] : memref<3x80x128xf32, #tpu.memory_space<vmem>> -> memref<1x80x128xf32, #tpu.memory_space<vmem>>
      %dma_wait3A_90 = tpu.memref_squeeze %dma_wait3A_89 : memref<1x80x128xf32, #tpu.memory_space<vmem>> -> memref<80x128xf32, #tpu.memory_space<vmem>>
      %dma_wait3A_91 = arith.constant 0 : i32
      %dma_wait3A_92 = tpu.memref_slice %arg2[%mul3A_2, %dma_wait3A_91] : memref<320000x128xf32, #tpu.memory_space<hbm>> -> memref<80x128xf32, #tpu.memory_space<hbm>>
      tpu.wait_dma2 semaphore(%dma_wait3A_86 : memref<!tpu.dma_semaphore, #tpu.memory_space<semaphore_mem>>) src(%dma_wait3A_92 : memref<80x128xf32, #tpu.memory_space<hbm>>) dst(%dma_wait3A_90 : memref<80x128xf32, #tpu.memory_space<vmem>>)
      %run_scoped3A_93 = arith.constant 0 : i32
      %run_scoped3A_94 = arith.constant 122 : i32
      "tpu.region"() ({
        %run_scoped3A_137 = tpu.sem_alloc : memref<!tpu.dma_semaphore, #tpu.memory_space<semaphore_mem>>
        %dma_start3A_138 = arith.constant 0 : i32
        %dma_start3A_139 = arith.constant 0 : i32
        %dma_start3A_140 = tpu.memref_slice %run_scoped3A[%run_scoped3A_93, %dma_start3A_138, %dma_start3A_139] : memref<3x80x128xf32, #tpu.memory_space<vmem>> -> memref<1x80x128xf32, #tpu.memory_space<vmem>>
        %dma_start3A_141 = tpu.memref_squeeze %dma_start3A_140 : memref<1x80x128xf32, #tpu.memory_space<vmem>> -> memref<80x128xf32, #tpu.memory_space<vmem>>
        %dma_start3A_142 = arith.constant 0 : i32
        %dma_start3A_143 = tpu.memref_slice %arg6[%run_scoped3A_94, %dma_start3A_142] : memref<125x80xi32, #tpu.memory_space<vmem>> -> memref<1x80xi32, #tpu.memory_space<vmem>>
        %dma_start3A_144 = tpu.memref_squeeze %dma_start3A_143 : memref<1x80xi32, #tpu.memory_space<vmem>> -> memref<80xi32, #tpu.memory_space<vmem>>
        %dma_start3A_145 = arith.constant 0 : i32
        %dma_start3A_146 = arith.constant 0 : i32
        %dma_start3A_147 = tpu.memref_slice %arg7[%dma_start3A_145, %dma_start3A_146] : memref<10112x128xf32, #tpu.memory_space<vmem_shared>> -> memref<10112x128xf32, #tpu.memory_space<vmem_shared>>
        tpu.enqueue_indirect_dma source(%dma_start3A_141 : memref<80x128xf32, #tpu.memory_space<vmem>>) target(%dma_start3A_147 : memref<10112x128xf32, #tpu.memory_space<vmem_shared>>) offsets(%dma_start3A_144 : memref<80xi32, #tpu.memory_space<vmem>>) semaphore(%run_scoped3A_137 : memref<!tpu.dma_semaphore, #tpu.memory_space<semaphore_mem>>) {add = true}
        %dma_wait3A_148 = arith.constant 0 : i32
        %dma_wait3A_149 = arith.constant 0 : i32
        %dma_wait3A_150 = tpu.memref_slice %run_scoped3A[%run_scoped3A_93, %dma_wait3A_148, %dma_wait3A_149] : memref<3x80x128xf32, #tpu.memory_space<vmem>> -> memref<1x80x128xf32, #tpu.memory_space<vmem>>
        %dma_wait3A_151 = tpu.memref_squeeze %dma_wait3A_150 : memref<1x80x128xf32, #tpu.memory_space<vmem>> -> memref<80x128xf32, #tpu.memory_space<vmem>>
        %dma_wait3A_152 = arith.constant 0 : i32
        %dma_wait3A_153 = tpu.memref_slice %arg6[%run_scoped3A_94, %dma_wait3A_152] : memref<125x80xi32, #tpu.memory_space<vmem>> -> memref<1x80xi32, #tpu.memory_space<vmem>>
        %dma_wait3A_154 = tpu.memref_squeeze %dma_wait3A_153 : memref<1x80xi32, #tpu.memory_space<vmem>> -> memref<80xi32, #tpu.memory_space<vmem>>
        %dma_wait3A_155 = arith.constant 0 : i32
        %dma_wait3A_156 = arith.constant 0 : i32
        %dma_wait3A_157 = tpu.memref_slice %arg7[%dma_wait3A_155, %dma_wait3A_156] : memref<10112x128xf32, #tpu.memory_space<vmem_shared>> -> memref<10112x128xf32, #tpu.memory_space<vmem_shared>>
        tpu.wait_indirect_dma semaphore(%run_scoped3A_137 : memref<!tpu.dma_semaphore, #tpu.memory_space<semaphore_mem>>) src(%dma_wait3A_151 : memref<80x128xf32, #tpu.memory_space<vmem>>) dst(%dma_wait3A_157 : memref<10112x128xf32, #tpu.memory_space<vmem_shared>>)
        tpu.yield
      }) : () -> ()
      %dma_wait3A_95 = arith.constant 1 : i32
      %dma_wait3A_96 = arith.constant 1 : i32
      %dma_wait3A_97 = arith.constant 0 : i32
      %dma_wait3A_98 = arith.constant 0 : i32
      %dma_wait3A_99 = tpu.memref_slice %run_scoped3A[%dma_wait3A_95, %dma_wait3A_97, %dma_wait3A_98] : memref<3x80x128xf32, #tpu.memory_space<vmem>> -> memref<1x80x128xf32, #tpu.memory_space<vmem>>
      %dma_wait3A_100 = tpu.memref_squeeze %dma_wait3A_99 : memref<1x80x128xf32, #tpu.memory_space<vmem>> -> memref<80x128xf32, #tpu.memory_space<vmem>>
      %dma_wait3A_101 = arith.constant 0 : i32
      %dma_wait3A_102 = tpu.memref_slice %arg2[%mul3A_2, %dma_wait3A_101] : memref<320000x128xf32, #tpu.memory_space<hbm>> -> memref<80x128xf32, #tpu.memory_space<hbm>>
      %dma_wait3A_103 = tpu.memref_slice %arg8[%dma_wait3A_96] : memref<3x!tpu.dma_semaphore, #tpu.memory_space<semaphore_mem>> -> memref<1x!tpu.dma_semaphore, #tpu.memory_space<semaphore_mem>>
      %dma_wait3A_104 = tpu.memref_squeeze %dma_wait3A_103 : memref<1x!tpu.dma_semaphore, #tpu.memory_space<semaphore_mem>> -> memref<!tpu.dma_semaphore, #tpu.memory_space<semaphore_mem>>
      %dma_wait3A_105 = arith.constant 0 : i32
      %dma_wait3A_106 = arith.constant 0 : i32
      %dma_wait3A_107 = tpu.memref_slice %run_scoped3A[%dma_wait3A_95, %dma_wait3A_105, %dma_wait3A_106] : memref<3x80x128xf32, #tpu.memory_space<vmem>> -> memref<1x80x128xf32, #tpu.memory_space<vmem>>
      %dma_wait3A_108 = tpu.memref_squeeze %dma_wait3A_107 : memref<1x80x128xf32, #tpu.memory_space<vmem>> -> memref<80x128xf32, #tpu.memory_space<vmem>>
      %dma_wait3A_109 = arith.constant 0 : i32
      %dma_wait3A_110 = tpu.memref_slice %arg2[%mul3A_2, %dma_wait3A_109] : memref<320000x128xf32, #tpu.memory_space<hbm>> -> memref<80x128xf32, #tpu.memory_space<hbm>>
      tpu.wait_dma2 semaphore(%dma_wait3A_104 : memref<!tpu.dma_semaphore, #tpu.memory_space<semaphore_mem>>) src(%dma_wait3A_110 : memref<80x128xf32, #tpu.memory_space<hbm>>) dst(%dma_wait3A_108 : memref<80x128xf32, #tpu.memory_space<vmem>>)
      %run_scoped3A_111 = arith.constant 1 : i32
      %run_scoped3A_112 = arith.constant 123 : i32
      "tpu.region"() ({
        %run_scoped3A_137 = tpu.sem_alloc : memref<!tpu.dma_semaphore, #tpu.memory_space<semaphore_mem>>
        %dma_start3A_138 = arith.constant 0 : i32
        %dma_start3A_139 = arith.constant 0 : i32
        %dma_start3A_140 = tpu.memref_slice %run_scoped3A[%run_scoped3A_111, %dma_start3A_138, %dma_start3A_139] : memref<3x80x128xf32, #tpu.memory_space<vmem>> -> memref<1x80x128xf32, #tpu.memory_space<vmem>>
        %dma_start3A_141 = tpu.memref_squeeze %dma_start3A_140 : memref<1x80x128xf32, #tpu.memory_space<vmem>> -> memref<80x128xf32, #tpu.memory_space<vmem>>
        %dma_start3A_142 = arith.constant 0 : i32
        %dma_start3A_143 = tpu.memref_slice %arg6[%run_scoped3A_112, %dma_start3A_142] : memref<125x80xi32, #tpu.memory_space<vmem>> -> memref<1x80xi32, #tpu.memory_space<vmem>>
        %dma_start3A_144 = tpu.memref_squeeze %dma_start3A_143 : memref<1x80xi32, #tpu.memory_space<vmem>> -> memref<80xi32, #tpu.memory_space<vmem>>
        %dma_start3A_145 = arith.constant 0 : i32
        %dma_start3A_146 = arith.constant 0 : i32
        %dma_start3A_147 = tpu.memref_slice %arg7[%dma_start3A_145, %dma_start3A_146] : memref<10112x128xf32, #tpu.memory_space<vmem_shared>> -> memref<10112x128xf32, #tpu.memory_space<vmem_shared>>
        tpu.enqueue_indirect_dma source(%dma_start3A_141 : memref<80x128xf32, #tpu.memory_space<vmem>>) target(%dma_start3A_147 : memref<10112x128xf32, #tpu.memory_space<vmem_shared>>) offsets(%dma_start3A_144 : memref<80xi32, #tpu.memory_space<vmem>>) semaphore(%run_scoped3A_137 : memref<!tpu.dma_semaphore, #tpu.memory_space<semaphore_mem>>) {add = true}
        %dma_wait3A_148 = arith.constant 0 : i32
        %dma_wait3A_149 = arith.constant 0 : i32
        %dma_wait3A_150 = tpu.memref_slice %run_scoped3A[%run_scoped3A_111, %dma_wait3A_148, %dma_wait3A_149] : memref<3x80x128xf32, #tpu.memory_space<vmem>> -> memref<1x80x128xf32, #tpu.memory_space<vmem>>
        %dma_wait3A_151 = tpu.memref_squeeze %dma_wait3A_150 : memref<1x80x128xf32, #tpu.memory_space<vmem>> -> memref<80x128xf32, #tpu.memory_space<vmem>>
        %dma_wait3A_152 = arith.constant 0 : i32
        %dma_wait3A_153 = tpu.memref_slice %arg6[%run_scoped3A_112, %dma_wait3A_152] : memref<125x80xi32, #tpu.memory_space<vmem>> -> memref<1x80xi32, #tpu.memory_space<vmem>>
        %dma_wait3A_154 = tpu.memref_squeeze %dma_wait3A_153 : memref<1x80xi32, #tpu.memory_space<vmem>> -> memref<80xi32, #tpu.memory_space<vmem>>
        %dma_wait3A_155 = arith.constant 0 : i32
        %dma_wait3A_156 = arith.constant 0 : i32
        %dma_wait3A_157 = tpu.memref_slice %arg7[%dma_wait3A_155, %dma_wait3A_156] : memref<10112x128xf32, #tpu.memory_space<vmem_shared>> -> memref<10112x128xf32, #tpu.memory_space<vmem_shared>>
        tpu.wait_indirect_dma semaphore(%run_scoped3A_137 : memref<!tpu.dma_semaphore, #tpu.memory_space<semaphore_mem>>) src(%dma_wait3A_151 : memref<80x128xf32, #tpu.memory_space<vmem>>) dst(%dma_wait3A_157 : memref<10112x128xf32, #tpu.memory_space<vmem_shared>>)
        tpu.yield
      }) : () -> ()
      %dma_wait3A_113 = arith.constant 2 : i32
      %dma_wait3A_114 = arith.constant 2 : i32
      %dma_wait3A_115 = arith.constant 0 : i32
      %dma_wait3A_116 = arith.constant 0 : i32
      %dma_wait3A_117 = tpu.memref_slice %run_scoped3A[%dma_wait3A_113, %dma_wait3A_115, %dma_wait3A_116] : memref<3x80x128xf32, #tpu.memory_space<vmem>> -> memref<1x80x128xf32, #tpu.memory_space<vmem>>
      %dma_wait3A_118 = tpu.memref_squeeze %dma_wait3A_117 : memref<1x80x128xf32, #tpu.memory_space<vmem>> -> memref<80x128xf32, #tpu.memory_space<vmem>>
      %dma_wait3A_119 = arith.constant 0 : i32
      %dma_wait3A_120 = tpu.memref_slice %arg2[%mul3A_2, %dma_wait3A_119] : memref<320000x128xf32, #tpu.memory_space<hbm>> -> memref<80x128xf32, #tpu.memory_space<hbm>>
      %dma_wait3A_121 = tpu.memref_slice %arg8[%dma_wait3A_114] : memref<3x!tpu.dma_semaphore, #tpu.memory_space<semaphore_mem>> -> memref<1x!tpu.dma_semaphore, #tpu.memory_space<semaphore_mem>>
      %dma_wait3A_122 = tpu.memref_squeeze %dma_wait3A_121 : memref<1x!tpu.dma_semaphore, #tpu.memory_space<semaphore_mem>> -> memref<!tpu.dma_semaphore, #tpu.memory_space<semaphore_mem>>
      %dma_wait3A_123 = arith.constant 0 : i32
      %dma_wait3A_124 = arith.constant 0 : i32
      %dma_wait3A_125 = tpu.memref_slice %run_scoped3A[%dma_wait3A_113, %dma_wait3A_123, %dma_wait3A_124] : memref<3x80x128xf32, #tpu.memory_space<vmem>> -> memref<1x80x128xf32, #tpu.memory_space<vmem>>
      %dma_wait3A_126 = tpu.memref_squeeze %dma_wait3A_125 : memref<1x80x128xf32, #tpu.memory_space<vmem>> -> memref<80x128xf32, #tpu.memory_space<vmem>>
      %dma_wait3A_127 = arith.constant 0 : i32
      %dma_wait3A_128 = tpu.memref_slice %arg2[%mul3A_2, %dma_wait3A_127] : memref<320000x128xf32, #tpu.memory_space<hbm>> -> memref<80x128xf32, #tpu.memory_space<hbm>>
      tpu.wait_dma2 semaphore(%dma_wait3A_122 : memref<!tpu.dma_semaphore, #tpu.memory_space<semaphore_mem>>) src(%dma_wait3A_128 : memref<80x128xf32, #tpu.memory_space<hbm>>) dst(%dma_wait3A_126 : memref<80x128xf32, #tpu.memory_space<vmem>>)
      %run_scoped3A_129 = arith.constant 2 : i32
      %run_scoped3A_130 = arith.constant 124 : i32
      "tpu.region"() ({
        %run_scoped3A_137 = tpu.sem_alloc : memref<!tpu.dma_semaphore, #tpu.memory_space<semaphore_mem>>
        %dma_start3A_138 = arith.constant 0 : i32
        %dma_start3A_139 = arith.constant 0 : i32
        %dma_start3A_140 = tpu.memref_slice %run_scoped3A[%run_scoped3A_129, %dma_start3A_138, %dma_start3A_139] : memref<3x80x128xf32, #tpu.memory_space<vmem>> -> memref<1x80x128xf32, #tpu.memory_space<vmem>>
        %dma_start3A_141 = tpu.memref_squeeze %dma_start3A_140 : memref<1x80x128xf32, #tpu.memory_space<vmem>> -> memref<80x128xf32, #tpu.memory_space<vmem>>
        %dma_start3A_142 = arith.constant 0 : i32
        %dma_start3A_143 = tpu.memref_slice %arg6[%run_scoped3A_130, %dma_start3A_142] : memref<125x80xi32, #tpu.memory_space<vmem>> -> memref<1x80xi32, #tpu.memory_space<vmem>>
        %dma_start3A_144 = tpu.memref_squeeze %dma_start3A_143 : memref<1x80xi32, #tpu.memory_space<vmem>> -> memref<80xi32, #tpu.memory_space<vmem>>
        %dma_start3A_145 = arith.constant 0 : i32
        %dma_start3A_146 = arith.constant 0 : i32
        %dma_start3A_147 = tpu.memref_slice %arg7[%dma_start3A_145, %dma_start3A_146] : memref<10112x128xf32, #tpu.memory_space<vmem_shared>> -> memref<10112x128xf32, #tpu.memory_space<vmem_shared>>
        tpu.enqueue_indirect_dma source(%dma_start3A_141 : memref<80x128xf32, #tpu.memory_space<vmem>>) target(%dma_start3A_147 : memref<10112x128xf32, #tpu.memory_space<vmem_shared>>) offsets(%dma_start3A_144 : memref<80xi32, #tpu.memory_space<vmem>>) semaphore(%run_scoped3A_137 : memref<!tpu.dma_semaphore, #tpu.memory_space<semaphore_mem>>) {add = true}
        %dma_wait3A_148 = arith.constant 0 : i32
        %dma_wait3A_149 = arith.constant 0 : i32
        %dma_wait3A_150 = tpu.memref_slice %run_scoped3A[%run_scoped3A_129, %dma_wait3A_148, %dma_wait3A_149] : memref<3x80x128xf32, #tpu.memory_space<vmem>> -> memref<1x80x128xf32, #tpu.memory_space<vmem>>
        %dma_wait3A_151 = tpu.memref_squeeze %dma_wait3A_150 : memref<1x80x128xf32, #tpu.memory_space<vmem>> -> memref<80x128xf32, #tpu.memory_space<vmem>>
        %dma_wait3A_152 = arith.constant 0 : i32
        %dma_wait3A_153 = tpu.memref_slice %arg6[%run_scoped3A_130, %dma_wait3A_152] : memref<125x80xi32, #tpu.memory_space<vmem>> -> memref<1x80xi32, #tpu.memory_space<vmem>>
        %dma_wait3A_154 = tpu.memref_squeeze %dma_wait3A_153 : memref<1x80xi32, #tpu.memory_space<vmem>> -> memref<80xi32, #tpu.memory_space<vmem>>
        %dma_wait3A_155 = arith.constant 0 : i32
        %dma_wait3A_156 = arith.constant 0 : i32
        %dma_wait3A_157 = tpu.memref_slice %arg7[%dma_wait3A_155, %dma_wait3A_156] : memref<10112x128xf32, #tpu.memory_space<vmem_shared>> -> memref<10112x128xf32, #tpu.memory_space<vmem_shared>>
        tpu.wait_indirect_dma semaphore(%run_scoped3A_137 : memref<!tpu.dma_semaphore, #tpu.memory_space<semaphore_mem>>) src(%dma_wait3A_151 : memref<80x128xf32, #tpu.memory_space<vmem>>) dst(%dma_wait3A_157 : memref<10112x128xf32, #tpu.memory_space<vmem_shared>>)
        tpu.yield
      }) : () -> ()
      %barrier3A_131 = arith.constant 0 : index
      tpu.barrier barrier_id(%barrier3A_131)
      %mul3A_132 = arith.constant 632 : i32
      %mul3A_133 = arith.muli %arg1, %mul3A_132 : i32
      %mul3A_134 = arith.constant 10112 : i32
      %mul3A_135 = arith.muli %arg0, %mul3A_134 : i32
      %add3A_136 = arith.addi %mul3A_135, %mul3A_133 : i32
      "tpu.region"() ({
        %run_scoped3A_137 = tpu.sem_alloc : memref<!tpu.dma_semaphore, #tpu.memory_space<semaphore_mem>>
        %dma_start3A_138 = arith.constant 0 : i32
        %dma_start3A_139 = tpu.memref_slice %arg5[%add3A_136, %dma_start3A_138] : memref<20224x128xf32, #tpu.memory_space<hbm>> -> memref<632x128xf32, #tpu.memory_space<hbm>>
        %dma_start3A_140 = arith.constant 0 : i32
        %dma_start3A_141 = tpu.memref_slice %arg7[%mul3A_133, %dma_start3A_140] : memref<10112x128xf32, #tpu.memory_space<vmem_shared>> -> memref<632x128xf32, #tpu.memory_space<vmem_shared>>
        tpu.enqueue_dma source(%dma_start3A_141 : memref<632x128xf32, #tpu.memory_space<vmem_shared>>) target(%dma_start3A_139 : memref<632x128xf32, #tpu.memory_space<hbm>>) target_semaphore(%run_scoped3A_137 : memref<!tpu.dma_semaphore, #tpu.memory_space<semaphore_mem>>)
        %dma_wait3A_142 = arith.constant 0 : i32
        %dma_wait3A_143 = tpu.memref_slice %arg5[%add3A_136, %dma_wait3A_142] : memref<20224x128xf32, #tpu.memory_space<hbm>> -> memref<632x128xf32, #tpu.memory_space<hbm>>
        %dma_wait3A_144 = arith.constant 0 : i32
        %dma_wait3A_145 = tpu.memref_slice %arg7[%mul3A_133, %dma_wait3A_144] : memref<10112x128xf32, #tpu.memory_space<vmem_shared>> -> memref<632x128xf32, #tpu.memory_space<vmem_shared>>
        tpu.wait_dma2 semaphore(%run_scoped3A_137 : memref<!tpu.dma_semaphore, #tpu.memory_space<semaphore_mem>>) src(%dma_wait3A_145 : memref<632x128xf32, #tpu.memory_space<vmem_shared>>) dst(%dma_wait3A_143 : memref<632x128xf32, #tpu.memory_space<hbm>>)
        tpu.yield
      }) : () -> ()
      tpu.yield
    }) : () -> ()
    return
  }
}

module attributes {stable_mosaic.version = 14 : i64} {
  func.func @body(%arg0: i32, %arg1: memref<2x5000x128xf32, #tpu.memory_space<vmem>>, %arg2: memref<5000x128xf32, #tpu.memory_space<vmem>>, %arg3: memref<128x128xf32, #tpu.memory_space<vmem>>, %arg4: memref<1x128xf32, #tpu.memory_space<vmem>>, %arg5: memref<128x128xf32, #tpu.memory_space<vmem>>, %arg6: memref<1x128xf32, #tpu.memory_space<vmem>>, %arg7: memref<5000x128xf32, #tpu.memory_space<vmem>>) attributes {dimension_semantics = [#tpu.dimension_semantics<arbitrary>], iteration_bounds = array<i64: 2>, scalar_prefetch = 0 : i64, scratch_operands = 0 : i64, tpu.core_type = #tpu.core_type<tc>, window_params = [{transform_indices = @transform_0, window_bounds = array<i64: 2, 5000, 128>}, {transform_indices = @transform_1, window_bounds = array<i64: 5000, 128>}, {pipeline_mode = #tpu.pipeline_mode<synchronous>, transform_indices = @transform_2, window_bounds = array<i64: 128, 128>}, {pipeline_mode = #tpu.pipeline_mode<synchronous>, transform_indices = @transform_3, window_bounds = array<i64: 1, 128>}, {pipeline_mode = #tpu.pipeline_mode<synchronous>, transform_indices = @transform_4, window_bounds = array<i64: 128, 128>}, {pipeline_mode = #tpu.pipeline_mode<synchronous>, transform_indices = @transform_5, window_bounds = array<i64: 1, 128>}, {transform_indices = @transform_6, window_bounds = array<i64: 5000, 128>}]} {
    %get3A = arith.constant 0 : index
    %get3A_0 = arith.constant 0 : index
    %get3A_1 = arith.constant 0 : index
    %get3A_2 = vector.load %arg1[%get3A, %get3A_0, %get3A_1] : memref<2x5000x128xf32, #tpu.memory_space<vmem>>, vector<1x5000x128xf32>
    %get3A_3 = vector.shape_cast %get3A_2 : vector<1x5000x128xf32> to vector<5000x128xf32>
    %get3A_4 = arith.constant 1 : index
    %get3A_5 = arith.constant 0 : index
    %get3A_6 = arith.constant 0 : index
    %get3A_7 = vector.load %arg1[%get3A_4, %get3A_5, %get3A_6] : memref<2x5000x128xf32, #tpu.memory_space<vmem>>, vector<1x5000x128xf32>
    %get3A_8 = vector.shape_cast %get3A_7 : vector<1x5000x128xf32> to vector<5000x128xf32>
    %add3A = arith.addf %get3A_3, %get3A_8 : vector<5000x128xf32>
    %get3A_9 = arith.constant 0 : index
    %get3A_10 = arith.constant 0 : index
    %get3A_11 = vector.load %arg3[%get3A_9, %get3A_10] : memref<128x128xf32, #tpu.memory_space<vmem>>, vector<128x128xf32>
    %dot_general3A = arith.constant dense<0.000000e+00> : vector<5000x128xf32>
    %dot_general3A_12 = tpu.matmul %add3A, %get3A_11, %dot_general3A {dimension_numbers = #tpu.dot_dimension_numbers<[1], [1], [0], [0], [0, 0, 1, 0], [], []>, transpose_lhs_hint = false} : vector<5000x128xf32>, vector<128x128xf32>, vector<5000x128xf32> -> vector<5000x128xf32>
    %get3A_13 = arith.constant 0 : index
    %get3A_14 = arith.constant 0 : index
    %get3A_15 = vector.load %arg4[%get3A_13, %get3A_14] : memref<1x128xf32, #tpu.memory_space<vmem>>, vector<1x128xf32>
    %add3A_16 = vector.broadcast %get3A_15 : vector<1x128xf32> to vector<5000x128xf32>
    %add3A_17 = arith.addf %dot_general3A_12, %add3A_16 : vector<5000x128xf32>
    %custom_jvp_call3A = arith.constant 0.000000e+00 : f32
    %max3A = vector.broadcast %custom_jvp_call3A : f32 to vector<5000x128xf32>
    %max3A_18 = arith.maximumf %add3A_17, %max3A : vector<5000x128xf32>
    %sub3A = vector.broadcast %custom_jvp_call3A : f32 to vector<5000x128xf32>
    %sub3A_19 = arith.subf %add3A_17, %sub3A : vector<5000x128xf32>
    %ne3A = arith.cmpf one, %sub3A_19, %sub3A_19 : vector<5000x128xf32>
    %add3A_20 = vector.broadcast %custom_jvp_call3A : f32 to vector<5000x128xf32>
    %add3A_21 = arith.addf %add3A_17, %add3A_20 : vector<5000x128xf32>
    %abs3A = math.absf %sub3A_19 : vector<5000x128xf32>
    %neg3A = arith.constant 0.000000e+00 : f32
    %neg3A_22 = vector.broadcast %neg3A : f32 to vector<5000x128xf32>
    %neg3A_23 = arith.subf %neg3A_22, %abs3A : vector<5000x128xf32>
    %exp3A = math.exp %neg3A_23 : vector<5000x128xf32>
    %log1p3A = math.log1p %exp3A : vector<5000x128xf32>
    %add3A_24 = arith.addf %max3A_18, %log1p3A : vector<5000x128xf32>
    %select_n3A = arith.select %ne3A, %add3A_21, %add3A_24 : vector<5000x128xi1>, vector<5000x128xf32>
    %sub3A_25 = arith.constant 0.693147182 : f32
    %sub3A_26 = vector.broadcast %sub3A_25 : f32 to vector<5000x128xf32>
    %sub3A_27 = arith.subf %select_n3A, %sub3A_26 : vector<5000x128xf32>
    %get3A_28 = arith.constant 0 : index
    %get3A_29 = arith.constant 0 : index
    %get3A_30 = vector.load %arg5[%get3A_28, %get3A_29] : memref<128x128xf32, #tpu.memory_space<vmem>>, vector<128x128xf32>
    %dot_general3A_31 = arith.constant dense<0.000000e+00> : vector<5000x128xf32>
    %dot_general3A_32 = tpu.matmul %sub3A_27, %get3A_30, %dot_general3A_31 {dimension_numbers = #tpu.dot_dimension_numbers<[1], [1], [0], [0], [0, 0, 1, 0], [], []>, transpose_lhs_hint = false} : vector<5000x128xf32>, vector<128x128xf32>, vector<5000x128xf32> -> vector<5000x128xf32>
    %get3A_33 = arith.constant 0 : index
    %get3A_34 = arith.constant 0 : index
    %get3A_35 = vector.load %arg2[%get3A_33, %get3A_34] : memref<5000x128xf32, #tpu.memory_space<vmem>>, vector<5000x128xf32>
    %add3A_36 = arith.addf %get3A_35, %dot_general3A_32 : vector<5000x128xf32>
    %get3A_37 = arith.constant 0 : index
    %get3A_38 = arith.constant 0 : index
    %get3A_39 = vector.load %arg6[%get3A_37, %get3A_38] : memref<1x128xf32, #tpu.memory_space<vmem>>, vector<1x128xf32>
    %add3A_40 = vector.broadcast %get3A_39 : vector<1x128xf32> to vector<5000x128xf32>
    %add3A_41 = arith.addf %add3A_36, %add3A_40 : vector<5000x128xf32>
    %swap3A = arith.constant 0 : index
    %swap3A_42 = arith.constant 0 : index
    %swap3A_43 = vector.load %arg7[%swap3A, %swap3A_42] : memref<5000x128xf32, #tpu.memory_space<vmem>>, vector<5000x128xf32>
    tpu.vector_store %arg7[%swap3A, %swap3A_42], %add3A_41 {strides = array<i32>} : memref<5000x128xf32, #tpu.memory_space<vmem>>, vector<5000x128xf32>,
    return
  }
  func.func @transform_0(%arg0: i32) -> (i32, i32, i32) {
    %c0_i32 = arith.constant 0 : i32
    %c0_i32_0 = arith.constant 0 : i32
    %c0_i32_1 = arith.constant 0 : i32
    return %c0_i32, %arg0, %c0_i32_0 : i32, i32, i32
  }
  func.func @transform_1(%arg0: i32) -> (i32, i32) {
    %c0_i32 = arith.constant 0 : i32
    %c0_i32_0 = arith.constant 0 : i32
    return %arg0, %c0_i32 : i32, i32
  }
  func.func @transform_2(%arg0: i32) -> (i32, i32) {
    %c0_i32 = arith.constant 0 : i32
    %c0_i32_0 = arith.constant 0 : i32
    %c0_i32_1 = arith.constant 0 : i32
    return %c0_i32, %c0_i32_0 : i32, i32
  }
  func.func @transform_3(%arg0: i32) -> (i32, i32) {
    %c0_i32 = arith.constant 0 : i32
    %c0_i32_0 = arith.constant 0 : i32
    %c0_i32_1 = arith.constant 0 : i32
    return %c0_i32, %c0_i32_0 : i32, i32
  }
  func.func @transform_4(%arg0: i32) -> (i32, i32) {
    %c0_i32 = arith.constant 0 : i32
    %c0_i32_0 = arith.constant 0 : i32
    %c0_i32_1 = arith.constant 0 : i32
    return %c0_i32, %c0_i32_0 : i32, i32
  }
  func.func @transform_5(%arg0: i32) -> (i32, i32) {
    %c0_i32 = arith.constant 0 : i32
    %c0_i32_0 = arith.constant 0 : i32
    %c0_i32_1 = arith.constant 0 : i32
    return %c0_i32, %c0_i32_0 : i32, i32
  }
  func.func @transform_6(%arg0: i32) -> (i32, i32) {
    %c0_i32 = arith.constant 0 : i32
    %c0_i32_0 = arith.constant 0 : i32
    return %arg0, %c0_i32 : i32, i32
  }
}

</mosaic_0001>

<sc_bundles>
// kernel: kernel.4.cloned.1.call-start
scs
__scs_entry_jumppad:
0x0: {  	(pc) =	sbr.rel $0x88, $3  }
0x1: {  	(tag) =	ssettag $0x0;
	lr =	simm.s32 $0x1  }
0x2: {  	[smem:$0x3F9A] =	sst lr;
	_ =	strace $0xD0000000  }
0x3: {  	_ = 	snop  }
0x4: {  	_ = 	snop  }
0x5: {  	_ = 	snop  }
0x6: {  	_ = 	snop  }
0x7: {  	_ = 	snop  }
__scs_overlays_trampoline_lowered:
0x8: {  	[smem:$0x3FA9] =	sst s0  }
0x9: {  	[smem:$0x3FAA] =	sst s1  }
0xa: {  	[smem:$0x3FAB] =	sst s2  }
0xb: {  	[smem:$0x3FAC] =	sst s3  }
0xc: {  	[smem:$0x3FAD] =	sst s4  }
0xd: {  	[smem:$0x3FAE] =	sst s5  }
0xe: {  	[smem:$0x3FAF] =	sst s6  }
0xf: {  	[smem:$0x3FB0] =	sst s7  }
0x10: {  	[smem:$0x3FB1] =	sst s8  }
0x11: {  	[smem:$0x3FB2] =	sst s9;
	s0 =	simm.s32 @!p0 $0x0  }
0x12: {  	s1 =	sld [smem:$0x3F98];
	s0 =	simm.s32 @p0 $0x1  }
0x13: {  	[smem:$0x3FB3] =	sst s0;
	s0 =	simm.s32 @!p1 $0x0  }
0x14: {  	s2 =	sld [smem:$0x3F97];
	s0 =	simm.s32 @p1 $0x1  }
0x15: {  	[smem:$0x3FB4] =	sst s0;
	s0 =	simm.s32 @!p2 $0x0  }
0x16: {  	s3 =	sld [smem:$0x3FDB];
	s0 =	simm.s32 @p2 $0x1  }
0x17: {  	s4 =	simm.s32 $0x1BF5;
	[smem:$0x3FB6] =	sst s0  }
0x18: {  	s0 =	sld [smem:$0x3F99];
	_ =	swait.ge [sflag:s4], $0x0  }
0x19: {  	s7 =	sld [smem:$0x3F9A]  }
0x1a: {  	s8 =	sadd.s32 $0xFFFFE003, lr  }
0x1b: {  	s9 =	sadd.s32 $0xFFFFFEF7, lr;
	s5 =	simm.s32 $0xFFFFFFFF;
	p2 =	slt.u32 s8, $0xFFFFF086  }
0x1c: {  	p1 =	slt.u32 s9, $0xF7A;
	s5 =	simm.s32 @!p2 $0x0  }
0x1d: {  	s5 =	simm.s32 @p1 $0x1;
	p0 =	seq.s32 s7, s2  }
0x1e: {  	s7 =	smul.u32 @!p0 $0xF7A, s2;
	p2 =	seq.s32 @!p0 s5, $0x0  }
0x1f: {  	s9 =	smul.u32 $0xF7A, s1;
	s8 =	simm.s32 @!p0 $0x1BF5;
	p2 =	por !p2, p0  }
0x20: {  	[sflag:s8] =	ssyncset.s32 @!p0 $0xFFFFF086;
	s6 =	sadd.s32 @!p0 s3, s7;
	s7 =	simm.s32 @!p0 $0x108  }
0x21: {  	s3 =	sadd.s32 s3, s9;
	s6 =	sadd.s32 @!p0 $0x88, s6;
	s7 =	simm.s32 @p2 $0x1082  }
0x22: {  	[simem:s7], [sflag:s8] =	dma.local @!p0 [hbm:s6], $0xF7A  }
0x23: {  	s9 =	sor.u32 $0xD0000000, s2;
	s6 =	simm.s32 $0x108;
	_ =	swait.ge @!p0 [sflag:s8], $0x0  }
0x24: {  	s3 =	sadd.s32 $0x88, s3;
	s6 =	simm.s32 @!p1 $0x1082;
	[sflag:s4] =	ssyncset.s32 $0xFFFFF086  }
0x25: {  	[simem:s6], [sflag:s4] =	dma.local [hbm:s3], $0xF7A  }
0x26: {  	[smem:$0x3F9A] =	sst s1;
	(tag) =	ssettag s2;
	_ =	strace s9  }
0x27: {  	s1 =	sld [smem:$0x3FAA]  }
0x28: {  	s2 =	sld [smem:$0x3FAB]  }
0x29: {  	s4 =	sld [smem:$0x3FAD]  }
0x2a: {  	p0 =	seq.s32 s5, $0x0;
	s5 =	sld [smem:$0x3FAE]  }
0x2b: {  	s6 =	sld [smem:$0x3FAF]  }
0x2c: {  	s7 =	sld [smem:$0x3FB0]  }
0x2d: {  	s3 =	simm.s32 $0x108;
	s8 =	sld [smem:$0x3FB1]  }
0x2e: {  	s3 =	simm.s32 @!p0 $0x1082;
	s9 =	sld [smem:$0x3FB2]  }
0x2f: {  	lr =	sadd.s32 s0, s3;
	s0 =	sld [smem:$0x3FA9]  }
0x30: {  	s3 =	sld [smem:$0x3FAC]  }
0x31: {  	[smem:$0x3FB5] =	sst s10  }
0x32: {  	s10 =	sld [smem:$0x3FB3];
	_ =	sdelay $0x3  }
0x33: {  	p0 =	seq.s32 s10, $0x1;
	s10 =	sld [smem:$0x3FB5];
	_ =	sdelay $0x3  }
0x34: {  	[smem:$0x3FB5] =	sst s10  }
0x35: {  	s10 =	sld [smem:$0x3FB4];
	_ =	sdelay $0x3  }
0x36: {  	p1 =	seq.s32 s10, $0x1;
	s10 =	sld [smem:$0x3FB5];
	_ =	sdelay $0x3  }
0x37: {  	[smem:$0x3FB5] =	sst s10  }
0x38: {  	s10 =	sld [smem:$0x3FB6]  }
0x39: {  	_ = 	snop;
	(pc) =	sbr.ind lr, $3  }
0x3a: {  	_ = 	snop  }
0x3b: {  	_ = 	snop  }
0x3c: {  	p2 =	seq.s32 s10, $0x1;
	s10 =	sld [smem:$0x3FB5]  }
0x3d: {  	_ =	shalt  }
0x3e: {  	_ =	shalt  }
0x3f: {  	_ =	shalt  }
0x40: {  	_ =	shalt  }
0x41: {  	_ =	shalt  }
0x42: {  	_ =	shalt  }
0x43: {  	_ =	shalt  }
0x44: {  	_ =	shalt  }
0x45: {  	_ =	shalt  }
0x46: {  	_ =	shalt  }
0x47: {  	_ =	shalt  }
0x48: {  	_ =	shalt  }
0x49: {  	_ =	shalt  }
0x4a: {  	_ =	shalt  }
0x4b: {  	_ =	shalt  }
0x4c: {  	_ =	shalt  }
0x4d: {  	_ =	shalt  }
0x4e: {  	_ =	shalt  }
0x4f: {  	_ =	shalt  }
0x50: {  	_ =	shalt  }
0x51: {  	_ =	shalt  }
0x52: {  	_ =	shalt  }
0x53: {  	_ =	shalt  }
0x54: {  	_ =	shalt  }
0x55: {  	_ =	shalt  }
0x56: {  	_ =	shalt  }
0x57: {  	_ =	shalt  }
0x58: {  	_ =	shalt  }
0x59: {  	_ =	shalt  }
0x5a: {  	_ =	shalt  }
0x5b: {  	_ =	shalt  }
0x5c: {  	_ =	shalt  }
0x5d: {  	_ =	shalt  }
0x5e: {  	_ =	shalt  }
0x5f: {  	_ =	shalt  }
0x60: {  	_ =	shalt  }
0x61: {  	_ =	shalt  }
0x62: {  	_ =	shalt  }
0x63: {  	_ =	shalt  }
0x64: {  	_ =	shalt  }
0x65: {  	_ =	shalt  }
0x66: {  	_ =	shalt  }
0x67: {  	_ =	shalt  }
0x68: {  	_ =	shalt  }
0x69: {  	_ =	shalt  }
0x6a: {  	_ =	shalt  }
0x6b: {  	_ =	shalt  }
0x6c: {  	_ =	shalt  }
0x6d: {  	_ =	shalt  }
0x6e: {  	_ =	shalt  }
0x6f: {  	_ =	shalt  }
0x70: {  	_ =	shalt  }
0x71: {  	_ =	shalt  }
0x72: {  	_ =	shalt  }
0x73: {  	_ =	shalt  }
0x74: {  	_ =	shalt  }
0x75: {  	_ =	shalt  }
0x76: {  	_ =	shalt  }
0x77: {  	_ =	shalt  }
0x78: {  	_ =	shalt  }
0x79: {  	_ =	shalt  }
0x7a: {  	_ =	shalt  }
0x7b: {  	_ =	shalt  }
0x7c: {  	_ =	shalt  }
0x7d: {  	_ =	shalt  }
0x7e: {  	_ =	shalt  }
0x7f: {  	_ =	shalt  }
0x80: {  	_ =	shalt  }
0x81: {  	_ =	shalt  }
0x82: {  	_ =	shalt  }
0x83: {  	_ =	shalt  }
0x84: {  	_ =	shalt  }
0x85: {  	_ =	shalt  }
0x86: {  	_ =	shalt  }
0x87: {  	_ =	shalt  }
.Lfunc_end0:
.L_simem_size_0:
called_computation_lowered:
.L_overlay_start_0:
0x88: {  	s2 =	sld [smem:$0x3FD9]  }
0x89: {  	s3 =	sld [smem:$0x3FFE];
	_ =	sdelay $0x1  }
0x8a: {  	s1 =	srdreg.scid  }
0x8b: {  	s0 =	sand.u32 $0x1, s1  }
0x8c: {  	s17 =	sshll.u32 s0, $0xA;
	s2 =	sadd.s32 s3, s2  }
0x8d: {  	s2 =	sadd.s32 s2, s17  }
0x8e: {  	[smem:$0x3FC1] =	sst s2  }
0x8f: {  	_ = 	snop  }
0x90: {  	s2 =	sld [smem:$0x3FC8]  }
0x91: {  	s18 =	sld [smem:$0x3FD0];
	(tm) =	ssettm $0x1  }
0x92: {  	s4 =	sld [smem:$0x3FFB];
	_ =	sdelay $0x3  }
0x93: {  	_ =	strace s4  }
0x94: {  	s4 =	sld [smem:$0x3FFC];
	_ =	sdelay $0x3  }
0x95: {  	_ =	strace s4  }
0x96: {  	s4 =	sld [smem:$0x3FFD];
	_ =	sdelay $0x3  }
0x97: {  	_ =	strace s4  }
0x98: {  	_ =	strace $0x8FFFFFFF  }
0x99: {  	s19 =	sld [smem:$0x3FDB];
	_ =	sdelay $0x1  }
0x9a: {  	s5 =	simm.s32 $_scs_section_size  }
0x9b: {  	s6 =	simm.s32 $_size__tile_overlayer_lowered;
	s7 =	simm.s32 $_tile_overlayer_lowered  }
0x9c: {  	s22 =	simm.s32 $0x1BFF;
	s21 =	sshll.u32 s7, $0x1;
	s4 =	sadd.s32 s5, s19  }
0x9d: {  	s8 =	simm.s32 $0x0;
	s20 =	sshll.u32 s6, $0x1;
	s6 =	sadd.s32 s21, s4  }
0x9e: {  	[timem:s8], [sflag:s22] =	dma.local [hbm:s6], s20  }
0x9f: {  	_ =	swait.ge [sflag:s22], s20  }
0xa0: {  	s5 =	ssub.s32 $0x0, s20;
	[sflag:s22] =	ssyncset.done $0x0  }
0xa1: {  	[sflag:s22] =	ssyncadd.s32 s5;
	_ =	sdelay $0x1  }
0xa2: {  	s23 =	simm.s32 $0x1B8B  }
0xa3: {  	_ =	swait.ge [sflag:s23], $0x1  }
0xa4: {  	[sflag:s23] =	ssyncset.done $0x0  }
0xa5: {  	s25 =	simm.s32 $0x1B8E;
	s24 =	sld [smem:$0x3FFE];
	[sflag:s23] =	ssyncadd.s32 $0xFFFFFFFF  }
0xa6: {  	s26 =	simm.s32 $execute0_lowered;
	[smem:$0x3FD2] =	sst s25  }
0xa7: {  	s6 =	sshll.u32 s26, $0x1;
	_ =	strace $0x80000046;
	[dreg:$0x1] =	wrdreg $0xFFFFFFFF  }
0xa8: {  	s28 =	simm.s32 $_size_execute0_lowered;
	s4 =	sadd.s32 s4, s6;
	[dreg:$0x0] =	wrdreg $0x0  }
0xa9: {  	s6 =	sshll.u32 s28, $0x1;
	[dreg:$0x2] =	wrdreg s4  }
0xaa: {  	[dreg:$0x3] =	wrdreg s6  }
0xab: {  	[dreg:$0x4] =	wrdreg $0xC0  }
0xac: {  	_ =	task [dreg:s8], $0x5FFFF  }
0xad: {  	[dreg:$0x1] =	wrdreg $0xFFFFFFFF  }
0xae: {  	[dreg:$0x0] =	wrdreg $0x60  }
0xaf: {  	[dreg:$0x2] =	wrdreg s2  }
0xb0: {  	[dreg:$0x3] =	wrdreg s18  }
0xb1: {  	[dreg:$0x4] =	wrdreg s24  }
0xb2: {  	[dreg:$0x5] =	wrdreg $0x40000  }
0xb3: {  	[dreg:$0x6] =	wrdreg $0x9  }
0xb4: {  	_ =	task.clear_ibuf [dreg:s8], $0x7FFFF;
	_ =	strace $0x90000046  }
0xb5: {  	s29 =	simm.s32 $0x9;
	_ =	strace $0x80000048  }
0xb6: {  	_ =	swait.ge [sflag:s29], $0x1  }
0xb7: {  	[sflag:s29] =	ssyncadd.s32 $0xFFFFFFFF  }
0xb8: {  	_ =	strace $0x90000048  }
0xb9: {  	_ =	sfence  }
0xba: {  	s30 =	sld [smem:$0x0];
	_ =	sdelay $0x2  }
0xbb: {  	s31 =	sshll.u32 s1, $0xD;
	s1 =	sshrl.u32 s1, $0x2  }
0xbc: {  	s3 =	sand.u32 $0x4000, s31;
	s1 =	sadd.s32 s1, s30  }
0xbd: {  	s0 =	sor.u32 s3, s0;
	s1 =	sshll.u32 s1, $0x11  }
0xbe: {  	s0 =	sor.u32 s1, s0  }
0xbf: {  	s0 =	sadd.s32 $0x8F2B, s0  }
0xc0: {  	[sflag:s0] =	ssyncadd.remote.s32 $0x1  }
0xc1: {  	_ =	sfence.sel $0xFFFF  }
0xc2: {  	[dreg:$0x0] =	wrdreg $0xFFFFFFFF;
	(pc) =	sbr.abs _section_cstart, $3  }
0xc3: {  	[dreg:$0x1] =	wrdreg $0xFFFFFFFF  }
0xc4: {  	_ =	task.clear_ibuf [dreg:s8], $0x2FFFF;
	_ =	strace $0x9FFFFFFF  }
0xc5: {  	(tm) =	ssettm $0x7FFFFFFF  }
tec
execute0_lowered:
.L_overlay_start_1:
0x0: {  	(tag) =	ssettag $0x1  }
0x1: {  	s12 =	rddreg [dreg:$0x0]  }
0x2: {  	s8 =	rddreg [dreg:$0x1]  }
0x3: {  	s5 =	rddreg [dreg:$0x2]  }
0x4: {  	s2 =	rddreg [dreg:$0x3]  }
0x5: {  	s0 =	rddreg [dreg:$0x4];
	s3 =	simm.s32 $0x0;
	s4 =	srdreg.scid  }
0x6: {  	s1 =	stileid.u32;
	s17 =	simm.s32 $0x5;
	s18 =	simm.s32 $0x4  }
0x7: {  	s19 =	simm.s32 $0x1;
	s20 =	simm.s32 $0x50;
	s23 =	smul.u32 $0x2780, s1  }
0x8: {  	s21 =	simm.s32 $0x2;
	s22 =	simm.s32 $0x3;
	s28 =	smul.u32 $0x4F000, s1  }
0x9: {  	s10 =	sand.u32 $0x1, s4;
	s6 =	sshll.u32 s1, $0x1;
	s15 =	smul.u32 $0x4E200, s1  }
0xa: {  	[smem:$0x7FF] =	sst s3;
	s4 =	sadd.s32 $0xC00, s5;
	s7 =	smul.u32 $0x27800, s10  }
0xb: {  	s30 =	sshll.u32 s1, $0x6;
	s6 =	sor.u32 s10, s6;
	s31 =	smul.u32 $0x27100, s10  }
0xc: {  	_ =	strace $0x80000047;
	s11 =	ssub.s32 $0x2, s10;
	s9 =	smul.u32 $0x27100, s6  }
0xd: {  	s13 =	smul.u32 $0x138800, s6;
	s24 =	sshrl.u32 s11, $0x1;
	s26 =	sshll.u32 s6, $0xB  }
0xe: {  	s29 =	sshrl.u32 s28, $0x2;
	s7 =	sadd.s32 s23, s7;
	s11 =	ssub.s32 s11, s24  }
0xf: {  	s8 =	sadd.s32 s8, s26;
	s16 =	sadd.s32 s29, s2;
	s23 =	simm.s32 $0x3D00  }
0x10: {  	s24 =	simm.s32 $0x3D80;
	s26 =	simm.s32 $0x0;
	s14 =	sadd.s32 s7, s5  }
0x11: {  	s5 =	sadd.s32 s12, s9;
	s25 =	sshrl.u32 s13, $0x3;
	s9 =	sor.u32 $0x1C05, s30  }
0x12: {  	s11 =	smax.u32 s11, $0x1;
	s13 =	simm.s32 $0x17C00;
	s16 =	sshrl.u32 s16, $0x3  }
0x13: {  	s7 =	sadd.s32 s12, s25;
	s10 =	sadd.s32 $0x3400, s14;
	s12 =	sadd.s32 s15, s12  }
0x14: {  	s14 =	simm.s32 $0x1A400;
	s15 =	simm.s32 $0x1CC00;
	s25 =	simm.s32 $0x3E00  }
0x15: {  	s6 =	sadd.s32 $0x500, s7;
	s7 =	sadd.s32 $0xA00, s7;
	s12 =	sadd.s32 s31, s12  }
.LBB2_1:
0x16: {  	[tilespmem:s13], [sflag:$0x1] =	stream.linear.gather [hbm4b:s5+s3], $0x2800, $0x38;
	[tilespmem:$0x1F400] =	vst v63  }
0x17: {  	_ = 	snop  }
0x18: {  	[tilespmem:s14], [sflag:$0x2] =	stream.linear.gather [hbm4b:s6+s3], $0x2800, $0x38;
	[tilespmem:$0x1F400] =	vst v63  }
0x19: {  	_ = 	snop  }
0x1a: {  	[tilespmem:s15], [sflag:$0x3] =	stream.linear.gather [hbm4b:s7+s3], $0x2800, $0x38;
	[tilespmem:$0x1F400] =	vst v63  }
0x1b: {  	_ = 	snop  }
0x1c: {  	[tilespmem:s3], [sflag:$0x4] =	stream.linear.gather [hbm4b:s8+s3], $0x3E80, $0x38;
	[tilespmem:$0x1F400] =	vst v63  }
0x1d: {  	[spmem:s16], [sflag:s9] =	dma.local [hbm:s4], $0x2780  }
0x1e: {  	_ =	swait.ge [sflag:s17], $0x2780  }
0x1f: {  	[sflag:s17] =	ssyncset.done $0x0  }
0x20: {  	[sflag:s17] =	ssyncadd.s32 $0xFFFFD880  }
0x21: {  	_ =	swait.ge [sflag:s18], $0x3E80  }
0x22: {  	[sflag:s18] =	ssyncset.done $0x0  }
0x23: {  	[sflag:s18] =	ssyncadd.s32 $0xFFFFC180  }
0x24: {  	[bflag:$0x0] =	sbarrier.arrive $0xFFFF  }
0x25: {  	_ =	swait.ge [sflag:s19], $0x2800  }
0x26: {  	[sflag:s19] =	ssyncset.done $0x0  }
0x27: {  	s28 =	simm.s32 $0x0;
	[sflag:s19] =	ssyncadd.s32 $0xFFFFD800  }
0x28: {  	[spmem:s2] =	stream.indirect.scatter.add.f32 [tilespmem:s13], [sflag:$0x5], $0x80, s28, s20, $0xb8;
	[tilespmem:$0x1F400] =	vst v63  }
0x29: {  	_ =	swait.ge [sflag:s17], $0x2800  }
0x2a: {  	s29 =	sadd.s32 $0x0, s12;
	[sflag:s17] =	ssyncset.done $0x0  }
0x2b: {  	s28 =	sadd.s32 $0xF00, s29;
	[sflag:s17] =	ssyncadd.s32 $0xFFFFD800  }
0x2c: {  	[tilespmem:s13], [sflag:$0x1] =	stream.linear.gather [hbm4b:s28+s3], $0x2800, $0x38;
	[tilespmem:$0x1F400] =	vst v63  }
0x2d: {  	_ =	swait.ge [sflag:s21], $0x2800  }
0x2e: {  	[sflag:s21] =	ssyncset.done $0x0  }
0x2f: {  	s28 =	simm.s32 $0x80;
	[sflag:s21] =	ssyncadd.s32 $0xFFFFD800  }
0x30: {  	[spmem:s2] =	stream.indirect.scatter.add.f32 [tilespmem:s14], [sflag:$0x5], $0x80, s28, s20, $0xb8;
	[tilespmem:$0x1F400] =	vst v63  }
0x31: {  	_ =	swait.ge [sflag:s17], $0x2800  }
0x32: {  	[sflag:s17] =	ssyncset.done $0x0  }
0x33: {  	s28 =	sadd.s32 $0x1400, s29;
	[sflag:s17] =	ssyncadd.s32 $0xFFFFD800  }
0x34: {  	[tilespmem:s14], [sflag:$0x2] =	stream.linear.gather [hbm4b:s28+s3], $0x2800, $0x38;
	[tilespmem:$0x1F400] =	vst v63  }
0x35: {  	_ =	swait.ge [sflag:s22], $0x2800  }
0x36: {  	[sflag:s22] =	ssyncset.done $0x0  }
0x37: {  	s28 =	simm.s32 $0x100;
	[sflag:s22] =	ssyncadd.s32 $0xFFFFD800  }
0x38: {  	[spmem:s2] =	stream.indirect.scatter.add.f32 [tilespmem:s15], [sflag:$0x5], $0x80, s28, s20, $0xb8;
	[tilespmem:$0x1F400] =	vst v63  }
0x39: {  	_ =	swait.ge [sflag:s17], $0x2800  }
0x3a: {  	s30 =	sadd.s32 $0x1900, s29;
	[sflag:s17] =	ssyncset.done $0x0  }
0x3b: {  	s29 =	simm.s32 $0x280;
	s28 =	simm.s32 $0xF00;
	[sflag:s17] =	ssyncadd.s32 $0xFFFFD800  }
.LBB2_2:
0x3c: {  	[tilespmem:s15], [sflag:$0x3] =	stream.linear.gather [hbm4b:s30+s3], $0x2800, $0x38;
	[tilespmem:$0x1F400] =	vst v63  }
0x3d: {  	s30 =	smov.u32 s28  }
0x3e: {  	p0 =	sne.s32 s28, $0x25800;
	s28 =	sadd.s32 $0xF00, s28;
	_ =	swait.ge [sflag:s19], $0x2800  }
0x3f: {  	[sflag:s19] =	ssyncset.done $0x0  }
0x40: {  	s31 =	sadd.s32 $0xFFFFFF00, s29;
	[sflag:s19] =	ssyncadd.s32 $0xFFFFD800  }
0x41: {  	[spmem:s2] =	stream.indirect.scatter.add.f32 [tilespmem:s13], [sflag:$0x5], $0x80, s31, s20, $0xb8;
	[tilespmem:$0x1F400] =	vst v63  }
0x42: {  	_ =	swait.ge [sflag:s17], $0x2800  }
0x43: {  	s30 =	sadd.s32 s30, s12;
	[sflag:s17] =	ssyncset.done $0x0  }
0x44: {  	s31 =	sadd.s32 $0xF00, s30;
	[sflag:s17] =	ssyncadd.s32 $0xFFFFD800  }
0x45: {  	[tilespmem:s13], [sflag:$0x1] =	stream.linear.gather [hbm4b:s31+s3], $0x2800, $0x38;
	[tilespmem:$0x1F400] =	vst v63  }
0x46: {  	_ =	swait.ge [sflag:s21], $0x2800  }
0x47: {  	[sflag:s21] =	ssyncset.done $0x0  }
0x48: {  	s31 =	sadd.s32 $0xFFFFFF80, s29;
	[sflag:s21] =	ssyncadd.s32 $0xFFFFD800  }
0x49: {  	[spmem:s2] =	stream.indirect.scatter.add.f32 [tilespmem:s14], [sflag:$0x5], $0x80, s31, s20, $0xb8;
	[tilespmem:$0x1F400] =	vst v63  }
0x4a: {  	_ =	swait.ge [sflag:s17], $0x2800  }
0x4b: {  	[sflag:s17] =	ssyncset.done $0x0  }
0x4c: {  	s31 =	sadd.s32 $0x1400, s30;
	[sflag:s17] =	ssyncadd.s32 $0xFFFFD800  }
0x4d: {  	[tilespmem:s14], [sflag:$0x2] =	stream.linear.gather [hbm4b:s31+s3], $0x2800, $0x38;
	[tilespmem:$0x1F400] =	vst v63  }
0x4e: {  	_ =	swait.ge [sflag:s22], $0x2800  }
0x4f: {  	[sflag:s22] =	ssyncset.done $0x0  }
.Ltmp0:
0x50: {  	[sflag:s22] =	ssyncadd.s32 $0xFFFFD800;
	(pc) =	sbr.rel @p0 .LBB2_2-.Ltmp0, $4  }
0x51: {  	[spmem:s2] =	stream.indirect.scatter.add.f32 [tilespmem:s15], [sflag:$0x5], $0x80, s29, s20, $0xb8;
	[tilespmem:$0x1F400] =	vst v63  }
0x52: {  	_ =	swait.ge [sflag:s17], $0x2800  }
0x53: {  	[sflag:s17] =	ssyncset.done $0x0  }
0x54: {  	s30 =	sadd.s32 $0x1900, s30;
	s29 =	sadd.s32 $0x180, s29;
	[sflag:s17] =	ssyncadd.s32 $0xFFFFD800  }
0x55: {  	[tilespmem:s15], [sflag:$0x3] =	stream.linear.gather [hbm4b:s30+s3], $0x2800, $0x38;
	[tilespmem:$0x1F400] =	vst v63  }
0x56: {  	_ =	swait.ge [sflag:s19], $0x2800  }
0x57: {  	[sflag:s19] =	ssyncset.done $0x0  }
0x58: {  	[sflag:s19] =	ssyncadd.s32 $0xFFFFD800  }
0x59: {  	[spmem:s2] =	stream.indirect.scatter.add.f32 [tilespmem:s13], [sflag:$0x5], $0x80, s23, s20, $0xb8;
	[tilespmem:$0x1F400] =	vst v63  }
0x5a: {  	_ =	swait.ge [sflag:s17], $0x2800  }
0x5b: {  	[sflag:s17] =	ssyncset.done $0x0  }
0x5c: {  	[sflag:s17] =	ssyncadd.s32 $0xFFFFD800  }
0x5d: {  	_ =	swait.ge [sflag:s21], $0x2800  }
0x5e: {  	[sflag:s21] =	ssyncset.done $0x0  }
0x5f: {  	[sflag:s21] =	ssyncadd.s32 $0xFFFFD800  }
0x60: {  	[spmem:s2] =	stream.indirect.scatter.add.f32 [tilespmem:s14], [sflag:$0x5], $0x80, s24, s20, $0xb8;
	[tilespmem:$0x1F400] =	vst v63  }
0x61: {  	_ =	swait.ge [sflag:s17], $0x2800  }
0x62: {  	[sflag:s17] =	ssyncset.done $0x0  }
0x63: {  	[sflag:s17] =	ssyncadd.s32 $0xFFFFD800  }
0x64: {  	_ =	swait.ge [sflag:s22], $0x2800  }
0x65: {  	[sflag:s22] =	ssyncset.done $0x0  }
0x66: {  	[sflag:s22] =	ssyncadd.s32 $0xFFFFD800  }
0x67: {  	[spmem:s2] =	stream.indirect.scatter.add.f32 [tilespmem:s15], [sflag:$0x5], $0x80, s25, s20, $0xb8;
	[tilespmem:$0x1F400] =	vst v63  }
0x68: {  	_ =	swait.ge [sflag:s17], $0x2800  }
0x69: {  	s26 =	sadd.s32 $0x1, s26;
	[sflag:s17] =	ssyncset.done $0x0  }
0x6a: {  	p0 =	sne.s32 s26, s11;
	[sflag:s17] =	ssyncadd.s32 $0xFFFFD800  }
.Ltmp1:
0x6b: {  	[bflag:$0x0] =	sbarrier.arrive $0xFFFF;
	(pc) =	sbr.rel @p0 .LBB2_1-.Ltmp1, $4  }
0x6c: {  	[hbm:s10], [sflag:s9] =	dma.local [spmem:s16], $0x2780  }
0x6d: {  	_ =	swait.ge [sflag:s17], $0x2780  }
0x6e: {  	[sflag:s17] =	ssyncset.done $0x0  }
0x6f: {  	[sflag:s17] =	ssyncadd.s32 $0xFFFFD880  }
0x70: {  	_ =	sfence.sel $0x180000  }
0x71: {  	[bflag:$0x0] =	sbarrier.arrive $0xFFFF  }
0x72: {  	p0 =	sne.s32 s1, $0x0;
	_ =	strace $0x90000047  }
0x73: {  	s0 =	sadd.s32 @!p0 $0x100000, s0;
	[bflag:$0x2] =	sbarrier.arrive $0xFFFF  }
0x74: {  	[sflag:s0] =	ssyncadd.tile.s32 @!p0 $0x1;
	_ =	shalt  }
.Lfunc_end2:
_tile_overlayer_lowered:
.L_overlay_start_2:
0x75: {  	(tag) =	ssettag $0x2  }
0x76: {  	s0 =	rddreg [dreg:$0x0];
	s2 =	stileid.u32  }
0x77: {  	s1 =	rddreg [dreg:$0x1];
	p0 =	sne.s32 s2, $0x0  }
0x78: {  	s3 =	rddreg [dreg:$0x2];
	[bflag:$0x3] =	sbarrier.arrive $0xFFFF;
	s2 =	simm.s32 @!p0 $0x1C05  }
0x79: {  	[timem:s3], [sflag:s2] =	dma.local @!p0 [hbm:s0], s1  }
0x7a: {  	s0 =	simm.s32 @!p0 $0x5  }
0x7b: {  	_ =	swait.ge @!p0 [sflag:s0], s1  }
0x7c: {  	s1 =	ssub.s32 @!p0 $0x0, s1;
	[sflag:s0] =	ssyncset.done @!p0 $0x0  }
0x7d: {  	[sflag:s0] =	ssyncadd.s32 @!p0 s1  }
0x7e: {  	[bflag:$0x3] =	sbarrier.arrive $0xFFFF  }
0x7f: {  	_ =	shalt  }

</sc_bundles>
